<compile_context>
chip_gen: v7x
topology: tpu7x:2x2x1
jax: 0.10.2.dev20260603
libtpu: 0.0.44.dev20260713+nightly
codegen_flags: <defaults>
</compile_context>

<pallas_src>
import dataclasses
import functools

import jax
import jax.numpy as jnp
from jax import lax
from jax.experimental import pallas as pl
from jax.experimental.pallas import tpu as pltpu
from jax.experimental.pallas import tpu_sc as plsc

B = 16384
D = 128
V = 1000
VPAD = 1024
NC = 2
NS = 16
NW = NC * NS
BPW = B // NW
HPS = B // NS


@functools.cache
def _build_sc_gather_hist():
  sc_mesh = plsc.VectorSubcoreMesh(
      core_axis_name="c", subcore_axis_name="s", num_cores=NC, num_subcores=NS
  )

  @functools.partial(
      pl.kernel,
      out_type=(
          jax.ShapeDtypeStruct((B, D), jnp.float32),
          jax.ShapeDtypeStruct((B,), jnp.float32),
      ),
      mesh=sc_mesh,
      compiler_params=dataclasses.replace(
          pltpu.CompilerParams(), needs_layout_passes=False
      )
      if "needs_layout_passes" in pltpu.CompilerParams.__dataclass_fields__
      else pltpu.CompilerParams(),
      scratch_types=[
          pltpu.VMEM((4, 128), jnp.int32),
          pltpu.VMEM((8, 128), jnp.int32),
          pltpu.VMEM((NS * VPAD,), jnp.float32),
          pltpu.VMEM((VPAD,), jnp.float32),
          pltpu.VMEM((NS, VPAD), jnp.float32),
          pltpu.VMEM((BPW, D), jnp.float32),
          pltpu.VMEM((BPW,), jnp.float32),
          pltpu.VMEM_SHARED((NS, VPAD), jnp.float32),
          pltpu.SemaphoreType.DMA,
          pltpu.SemaphoreType.DMA,
      ],
  )
  def sc_gather_hist(
      center_hbm,
      ys2d_hbm,
      g_hbm,
      w_hbm,
      idx_v,
      hlbl_v,
      lhist_v,
      hist_v,
      allh_v,
      rows_v,
      w_v,
      shared_h,
      sem,
      wsem,
  ):
    cid = lax.axis_index("c")
    sid = lax.axis_index("s")
    wid = sid * NC + cid

    pltpu.sync_copy(ys2d_hbm.at[pl.ds(wid * 4, 4)], idx_v)

    for j in range(4):
      pltpu.async_copy(
          center_hbm.at[idx_v.at[j]], rows_v.at[pl.ds(j * 128, 128)], sem
      )

    pltpu.sync_copy(ys2d_hbm.at[pl.ds(sid * 8, 8)], hlbl_v)

    @pl.loop(0, NS * VPAD, step=16)
    def _(i):
      lhist_v[pl.ds(i, 16)] = jnp.zeros((16,), jnp.float32)

    lane_off = lax.iota(jnp.int32, 16) * VPAD
    ones16 = jnp.full((16,), 1.0, jnp.float32)
    for r in range(8):

      @pl.loop(0, 128, step=16)
      def _(i):
        lblv = hlbl_v[r, pl.ds(i, 16)]
        plsc.addupdate_scatter(lhist_v, [lblv + lane_off], ones16)

    @pl.loop(0, VPAD, step=16)
    def _(i):
      acc = lhist_v[pl.ds(i, 16)]
      for q in range(1, NS):
        acc = acc + lhist_v[pl.ds(q * VPAD + i, 16)]
      hist_v[pl.ds(i, 16)] = acc

    for j in range(4):
      pltpu.make_async_copy(
          center_hbm.at[idx_v.at[j]], rows_v.at[pl.ds(j * 128, 128)], sem
      ).wait()
      pltpu.async_copy(
          rows_v.at[pl.ds(j * 128, 128)],
          g_hbm.at[pl.ds(wid * BPW + j * 128, 128)],
          wsem,
      )

    pltpu.sync_copy(hist_v, shared_h.at[sid])
    plsc.subcore_barrier()
    pltpu.sync_copy(shared_h, allh_v)

    @pl.loop(0, VPAD, step=16)
    def _(i):
      acc = allh_v[0, pl.ds(i, 16)]
      for q in range(1, NS):
        acc = acc + allh_v[q, pl.ds(i, 16)]
      hist_v[pl.ds(i, 16)] = acc

    for j in range(4):

      @pl.loop(0, 128, step=16)
      def _(i):
        lbl = idx_v[j, pl.ds(i, 16)]
        cnt = plsc.load_gather(hist_v, [lbl])
        w_v[pl.ds(j * 128 + i, 16)] = 1.0 / cnt

    pltpu.sync_copy(w_v, w_hbm.at[pl.ds(wid * BPW, BPW)])
    for j in range(4):
      pltpu.make_async_copy(
          rows_v.at[pl.ds(j * 128, 128)],
          g_hbm.at[pl.ds(wid * BPW + j * 128, 128)],
          wsem,
      ).wait()

  return sc_gather_hist


_TC_BLK = 4096


_TC_ROWS = _TC_BLK // 128


def _tc_norm_body(xs_ref, out_ref):
  xs = xs_ref[...]
  s = jnp.sum(xs * xs, axis=2, keepdims=True)
  inv = 1.0 / jnp.maximum(jnp.sqrt(s), 1e-12)
  out_ref[...] = (xs * inv).astype(jnp.bfloat16)


def _tc_norm(xs3):
  return pl.pallas_call(
      _tc_norm_body,
      grid=(B // _TC_BLK,),
      in_specs=[pl.BlockSpec((_TC_ROWS, 128, D), lambda i: (i, 0, 0))],
      out_specs=pl.BlockSpec((_TC_ROWS, 128, D), lambda i: (i, 0, 0)),
      out_shape=jax.ShapeDtypeStruct((128, 128, D), jnp.bfloat16),
      compiler_params=pltpu.CompilerParams(dimension_semantics=("parallel",)),
  )(xs3)


def _tc_body(xh_ref, g_ref, w_ref, out_ref):
  t = xh_ref[...].astype(jnp.float32) - g_ref[...]
  out_ref[0, 0, 0] = jnp.sum(w_ref[...][:, :, None] * t * t)


def _tc_reduce(xh3, g, w):
  return pl.pallas_call(
      _tc_body,
      grid=(B // _TC_BLK,),
      in_specs=[
          pl.BlockSpec((_TC_ROWS, 128, D), lambda i: (i, 0, 0)),
          pl.BlockSpec((_TC_ROWS, 128, D), lambda i: (i, 0, 0)),
          pl.BlockSpec((_TC_ROWS, 128), lambda i: (i, 0)),
      ],
      out_specs=pl.BlockSpec(
          (1, 1, 1), lambda i: (i, 0, 0), memory_space=pltpu.SMEM
      ),
      out_shape=jax.ShapeDtypeStruct((B // _TC_BLK, 1, 1), jnp.float32),
      compiler_params=pltpu.CompilerParams(dimension_semantics=("parallel",)),
  )(xh3, g.reshape(128, 128, D), w.reshape(128, 128))


@jax.jit
def kernel(xs, ys, center):
  ys2d = ys.astype(jnp.int32).reshape(128, 128)
  xs3 = xs.reshape(128, 128, D)
  g, w = _build_sc_gather_hist()(center, ys2d)
  xh3 = _tc_norm(xs3)
  partials = _tc_reduce(xh3, g, w)
  return jnp.sum(partials) / 2.0

# --- scband reference (transcript-rebuilt; emitter-appended) ---
"""Pipeline reference for scband-center-loss-833223655620 (READ-ONLY COPY).

The authoritative reference and input builder live on the scoring server;
editing this copy changes nothing except your own understanding.
"""

import jax, jax.numpy as jnp
import numpy as np

BATCH = 16384
FEATURE_NUM = 128
CLS_NUM = 1000


def setup_inputs(seed: int = 0) -> dict:
    key = jax.random.key(seed)
    k1, k2, k3 = jax.random.split(key, 3)
    xs = jax.random.normal(k1, (BATCH, FEATURE_NUM), dtype=jnp.float32)
    ys = jax.random.randint(k2, (BATCH,), 0, CLS_NUM, dtype=jnp.int32)
    # learned parameter: class centers, initialized like torch.randn
    center = jax.random.normal(k3, (CLS_NUM, FEATURE_NUM), dtype=jnp.float32)
    return {"xs": xs, "ys": ys, "center": center}


def reference(xs, ys, center):
    # F.normalize(xs): L2 normalize along dim=1 with eps=1e-12
    norm = jnp.linalg.norm(xs, axis=1, keepdims=True)
    xs_norm = xs / jnp.maximum(norm, 1e-12)
    # gather centers for each sample's label
    center_selected = jnp.take(center, ys, axis=0)
    # torch.histc(bins=cls_num, min=0, max=cls_num-1) on integer labels in
    # [0, cls_num-1] is exactly a bincount over cls_num classes
    cls_sum_count = jnp.bincount(ys, length=CLS_NUM).astype(jnp.float32)
    cls_count_dis = jnp.take(cls_sum_count, ys, axis=0)
    per_sample = jnp.sum((xs_norm - center_selected) ** 2, axis=1) / cls_count_dis
    return jnp.sum(per_sample) / 2.0

if __name__ == "__main__":
    import jax
    _d = setup_inputs()
    print(jax.jit(kernel)(*tuple(_d.values())))

</pallas_src>

<mosaic_0001>
#map = affine_map<(d0, d1) -> (0, 0)>
#map1 = affine_map<(d0, d1) -> (0)>
module attributes {stable_mosaic.version = 14 : i64} {
  func.func @sc_gather_hist(%arg0: i32, %arg1: i32, %arg2: memref<1000x128xf32, #tpu.memory_space<hbm>>, %arg3: memref<128x128xi32, #tpu.memory_space<hbm>>, %arg4: memref<16384x128xf32, #tpu.memory_space<hbm>>, %arg5: memref<16384xf32, #tpu.memory_space<hbm>>, %arg6: memref<4x128xi32, #tpu.memory_space<vmem>>, %arg7: memref<8x128xi32, #tpu.memory_space<vmem>>, %arg8: memref<16384xf32, #tpu.memory_space<vmem>>, %arg9: memref<1024xf32, #tpu.memory_space<vmem>>, %arg10: memref<16x1024xf32, #tpu.memory_space<vmem>>, %arg11: memref<512x128xf32, #tpu.memory_space<vmem>>, %arg12: memref<512xf32, #tpu.memory_space<vmem>>, %arg13: memref<16x1024xf32, #tpu.memory_space<vmem_shared>>, %arg14: memref<!tpu.dma_semaphore, #tpu.memory_space<semaphore_mem>>, %arg15: memref<!tpu.dma_semaphore, #tpu.memory_space<semaphore_mem>>) attributes {dimension_semantics = [#tpu.dimension_semantics<core_parallel>, #tpu.dimension_semantics<subcore_parallel>], iteration_bounds = array<i64: 2, 16>, scalar_prefetch = 0 : i64, scratch_operands = 10 : i64, tpu.core_type = #tpu.core_type<sc_vector_subcore>, window_params = [{transform_indices = #map}, {transform_indices = #map}, {transform_indices = #map}, {transform_indices = #map1}]} {
    %mul3A = arith.constant 2 : i32
    %mul3A_0 = arith.muli %arg1, %mul3A : i32
    %add3A = arith.addi %mul3A_0, %arg0 : i32
    %mul3A_1 = arith.constant 4 : i32
    %mul3A_2 = arith.muli %add3A, %mul3A_1 : i32
    "tpu.region"() ({
      %run_scoped3A = tpu.sem_alloc : memref<!tpu.dma_semaphore, #tpu.memory_space<semaphore_mem>>
      %dma_start3A_275 = arith.constant 0 : i32
      %dma_start3A_276 = tpu.memref_slice %arg3[%mul3A_2, %dma_start3A_275] : memref<128x128xi32, #tpu.memory_space<hbm>> -> memref<4x128xi32, #tpu.memory_space<hbm>>
      %dma_start3A_277 = arith.constant 0 : i32
      %dma_start3A_278 = tpu.memref_slice %arg3[%mul3A_2, %dma_start3A_277] : memref<128x128xi32, #tpu.memory_space<hbm>> -> memref<4x128xi32, #tpu.memory_space<hbm>>
      tpu.enqueue_dma source(%dma_start3A_278 : memref<4x128xi32, #tpu.memory_space<hbm>>) target(%arg6 : memref<4x128xi32, #tpu.memory_space<vmem>>) target_semaphore(%run_scoped3A : memref<!tpu.dma_semaphore, #tpu.memory_space<semaphore_mem>>)
      %dma_wait3A_279 = arith.constant 0 : i32
      %dma_wait3A_280 = tpu.memref_slice %arg3[%mul3A_2, %dma_wait3A_279] : memref<128x128xi32, #tpu.memory_space<hbm>> -> memref<4x128xi32, #tpu.memory_space<hbm>>
      %dma_wait3A_281 = arith.constant 0 : i32
      %dma_wait3A_282 = tpu.memref_slice %arg3[%mul3A_2, %dma_wait3A_281] : memref<128x128xi32, #tpu.memory_space<hbm>> -> memref<4x128xi32, #tpu.memory_space<hbm>>
      tpu.wait_dma2 semaphore(%run_scoped3A : memref<!tpu.dma_semaphore, #tpu.memory_space<semaphore_mem>>) src(%dma_wait3A_282 : memref<4x128xi32, #tpu.memory_space<hbm>>) dst(%arg6 : memref<4x128xi32, #tpu.memory_space<vmem>>)
      tpu.yield
    }) : () -> ()
    %dma_start3A = arith.constant 0 : i32
    %dma_start3A_3 = arith.constant 0 : i32
    %dma_start3A_4 = arith.constant 0 : i32
    %dma_start3A_5 = tpu.memref_slice %arg11[%dma_start3A_3, %dma_start3A_4] : memref<512x128xf32, #tpu.memory_space<vmem>> -> memref<128x128xf32, #tpu.memory_space<vmem>>
    %dma_start3A_6 = arith.constant 0 : i32
    %dma_start3A_7 = tpu.memref_slice %arg6[%dma_start3A, %dma_start3A_6] : memref<4x128xi32, #tpu.memory_space<vmem>> -> memref<1x128xi32, #tpu.memory_space<vmem>>
    %dma_start3A_8 = tpu.memref_squeeze %dma_start3A_7 : memref<1x128xi32, #tpu.memory_space<vmem>> -> memref<128xi32, #tpu.memory_space<vmem>>
    %dma_start3A_9 = arith.constant 0 : i32
    %dma_start3A_10 = arith.constant 0 : i32
    %dma_start3A_11 = tpu.memref_slice %arg2[%dma_start3A_9, %dma_start3A_10] : memref<1000x128xf32, #tpu.memory_space<hbm>> -> memref<1000x128xf32, #tpu.memory_space<hbm>>
    tpu.enqueue_indirect_dma source(%dma_start3A_11 : memref<1000x128xf32, #tpu.memory_space<hbm>>) target(%dma_start3A_5 : memref<128x128xf32, #tpu.memory_space<vmem>>) offsets(%dma_start3A_8 : memref<128xi32, #tpu.memory_space<vmem>>) semaphore(%arg14 : memref<!tpu.dma_semaphore, #tpu.memory_space<semaphore_mem>>)
    %dma_start3A_12 = arith.constant 1 : i32
    %dma_start3A_13 = arith.constant 128 : i32
    %dma_start3A_14 = arith.constant 0 : i32
    %dma_start3A_15 = tpu.memref_slice %arg11[%dma_start3A_13, %dma_start3A_14] : memref<512x128xf32, #tpu.memory_space<vmem>> -> memref<128x128xf32, #tpu.memory_space<vmem>>
    %dma_start3A_16 = arith.constant 0 : i32
    %dma_start3A_17 = tpu.memref_slice %arg6[%dma_start3A_12, %dma_start3A_16] : memref<4x128xi32, #tpu.memory_space<vmem>> -> memref<1x128xi32, #tpu.memory_space<vmem>>
    %dma_start3A_18 = tpu.memref_squeeze %dma_start3A_17 : memref<1x128xi32, #tpu.memory_space<vmem>> -> memref<128xi32, #tpu.memory_space<vmem>>
    %dma_start3A_19 = arith.constant 0 : i32
    %dma_start3A_20 = arith.constant 0 : i32
    %dma_start3A_21 = tpu.memref_slice %arg2[%dma_start3A_19, %dma_start3A_20] : memref<1000x128xf32, #tpu.memory_space<hbm>> -> memref<1000x128xf32, #tpu.memory_space<hbm>>
    tpu.enqueue_indirect_dma source(%dma_start3A_21 : memref<1000x128xf32, #tpu.memory_space<hbm>>) target(%dma_start3A_15 : memref<128x128xf32, #tpu.memory_space<vmem>>) offsets(%dma_start3A_18 : memref<128xi32, #tpu.memory_space<vmem>>) semaphore(%arg14 : memref<!tpu.dma_semaphore, #tpu.memory_space<semaphore_mem>>)
    %dma_start3A_22 = arith.constant 2 : i32
    %dma_start3A_23 = arith.constant 256 : i32
    %dma_start3A_24 = arith.constant 0 : i32
    %dma_start3A_25 = tpu.memref_slice %arg11[%dma_start3A_23, %dma_start3A_24] : memref<512x128xf32, #tpu.memory_space<vmem>> -> memref<128x128xf32, #tpu.memory_space<vmem>>
    %dma_start3A_26 = arith.constant 0 : i32
    %dma_start3A_27 = tpu.memref_slice %arg6[%dma_start3A_22, %dma_start3A_26] : memref<4x128xi32, #tpu.memory_space<vmem>> -> memref<1x128xi32, #tpu.memory_space<vmem>>
    %dma_start3A_28 = tpu.memref_squeeze %dma_start3A_27 : memref<1x128xi32, #tpu.memory_space<vmem>> -> memref<128xi32, #tpu.memory_space<vmem>>
    %dma_start3A_29 = arith.constant 0 : i32
    %dma_start3A_30 = arith.constant 0 : i32
    %dma_start3A_31 = tpu.memref_slice %arg2[%dma_start3A_29, %dma_start3A_30] : memref<1000x128xf32, #tpu.memory_space<hbm>> -> memref<1000x128xf32, #tpu.memory_space<hbm>>
    tpu.enqueue_indirect_dma source(%dma_start3A_31 : memref<1000x128xf32, #tpu.memory_space<hbm>>) target(%dma_start3A_25 : memref<128x128xf32, #tpu.memory_space<vmem>>) offsets(%dma_start3A_28 : memref<128xi32, #tpu.memory_space<vmem>>) semaphore(%arg14 : memref<!tpu.dma_semaphore, #tpu.memory_space<semaphore_mem>>)
    %dma_start3A_32 = arith.constant 3 : i32
    %dma_start3A_33 = arith.constant 384 : i32
    %dma_start3A_34 = arith.constant 0 : i32
    %dma_start3A_35 = tpu.memref_slice %arg11[%dma_start3A_33, %dma_start3A_34] : memref<512x128xf32, #tpu.memory_space<vmem>> -> memref<128x128xf32, #tpu.memory_space<vmem>>
    %dma_start3A_36 = arith.constant 0 : i32
    %dma_start3A_37 = tpu.memref_slice %arg6[%dma_start3A_32, %dma_start3A_36] : memref<4x128xi32, #tpu.memory_space<vmem>> -> memref<1x128xi32, #tpu.memory_space<vmem>>
    %dma_start3A_38 = tpu.memref_squeeze %dma_start3A_37 : memref<1x128xi32, #tpu.memory_space<vmem>> -> memref<128xi32, #tpu.memory_space<vmem>>
    %dma_start3A_39 = arith.constant 0 : i32
    %dma_start3A_40 = arith.constant 0 : i32
    %dma_start3A_41 = tpu.memref_slice %arg2[%dma_start3A_39, %dma_start3A_40] : memref<1000x128xf32, #tpu.memory_space<hbm>> -> memref<1000x128xf32, #tpu.memory_space<hbm>>
    tpu.enqueue_indirect_dma source(%dma_start3A_41 : memref<1000x128xf32, #tpu.memory_space<hbm>>) target(%dma_start3A_35 : memref<128x128xf32, #tpu.memory_space<vmem>>) offsets(%dma_start3A_38 : memref<128xi32, #tpu.memory_space<vmem>>) semaphore(%arg14 : memref<!tpu.dma_semaphore, #tpu.memory_space<semaphore_mem>>)
    %mul3A_42 = arith.constant 8 : i32
    %mul3A_43 = arith.muli %arg1, %mul3A_42 : i32
    "tpu.region"() ({
      %run_scoped3A = tpu.sem_alloc : memref<!tpu.dma_semaphore, #tpu.memory_space<semaphore_mem>>
      %dma_start3A_275 = arith.constant 0 : i32
      %dma_start3A_276 = tpu.memref_slice %arg3[%mul3A_43, %dma_start3A_275] : memref<128x128xi32, #tpu.memory_space<hbm>> -> memref<8x128xi32, #tpu.memory_space<hbm>>
      %dma_start3A_277 = arith.constant 0 : i32
      %dma_start3A_278 = tpu.memref_slice %arg3[%mul3A_43, %dma_start3A_277] : memref<128x128xi32, #tpu.memory_space<hbm>> -> memref<8x128xi32, #tpu.memory_space<hbm>>
      tpu.enqueue_dma source(%dma_start3A_278 : memref<8x128xi32, #tpu.memory_space<hbm>>) target(%arg7 : memref<8x128xi32, #tpu.memory_space<vmem>>) target_semaphore(%run_scoped3A : memref<!tpu.dma_semaphore, #tpu.memory_space<semaphore_mem>>)
      %dma_wait3A_279 = arith.constant 0 : i32
      %dma_wait3A_280 = tpu.memref_slice %arg3[%mul3A_43, %dma_wait3A_279] : memref<128x128xi32, #tpu.memory_space<hbm>> -> memref<8x128xi32, #tpu.memory_space<hbm>>
      %dma_wait3A_281 = arith.constant 0 : i32
      %dma_wait3A_282 = tpu.memref_slice %arg3[%mul3A_43, %dma_wait3A_281] : memref<128x128xi32, #tpu.memory_space<hbm>> -> memref<8x128xi32, #tpu.memory_space<hbm>>
      tpu.wait_dma2 semaphore(%run_scoped3A : memref<!tpu.dma_semaphore, #tpu.memory_space<semaphore_mem>>) src(%dma_wait3A_282 : memref<8x128xi32, #tpu.memory_space<hbm>>) dst(%arg7 : memref<8x128xi32, #tpu.memory_space<vmem>>)
      tpu.yield
    }) : () -> ()
    %scan3A = arith.constant 0 : i32
    %scan3A_44 = arith.constant 1024 : i32
    %scan3A_45 = arith.addi %scan3A, %scan3A_44 : i32
    %scan3A_46 = arith.constant 1 : i32
    scf.for %scan3A_275 = %scan3A to %scan3A_45 step %scan3A_46  : i32 {
      %mul3A_276 = arith.constant 16 : i32
      %mul3A_277 = arith.muli %scan3A_275, %mul3A_276 : i32
      %add3A_278 = arith.constant 0 : i32
      %add3A_279 = arith.addi %add3A_278, %mul3A_277 : i32
      %broadcast_in_dim3A_280 = arith.constant 0.000000e+00 : f32
      %broadcast_in_dim3A_281 = vector.broadcast %broadcast_in_dim3A_280 : f32 to vector<16xf32>
      %swap3A = arith.index_cast %add3A_279 : i32 to index
      %swap3A_282 = tpu.vector_load %arg8[%swap3A] {strides = array<i32>} : memref<16384xf32, #tpu.memory_space<vmem>>, vector<16xf32>,
      tpu.vector_store %arg8[%swap3A], %broadcast_in_dim3A_281 {strides = array<i32>} : memref<16384xf32, #tpu.memory_space<vmem>>, vector<16xf32>,
    }
    %scan3A_47 = arith.constant 1024 : i32
    %iota3A = tpu.iota {dimensions = array<i32: 0>} : vector<16xi32>
    %mul3A_48 = arith.constant 1024 : i32
    %mul3A_49 = vector.broadcast %mul3A_48 : i32 to vector<16xi32>
    %mul3A_50 = arith.muli %iota3A, %mul3A_49 : vector<16xi32>
    %broadcast_in_dim3A = arith.constant 1.000000e+00 : f32
    %broadcast_in_dim3A_51 = vector.broadcast %broadcast_in_dim3A : f32 to vector<16xf32>
    %scan3A_52 = arith.constant 0 : i32
    %scan3A_53 = arith.constant 8 : i32
    %scan3A_54 = arith.addi %scan3A_52, %scan3A_53 : i32
    %scan3A_55 = arith.constant 1 : i32
    scf.for %scan3A_275 = %scan3A_52 to %scan3A_54 step %scan3A_55  : i32 {
      %mul3A_276 = arith.constant 16 : i32
      %mul3A_277 = arith.muli %scan3A_275, %mul3A_276 : i32
      %add3A_278 = arith.constant 0 : i32
      %add3A_279 = arith.addi %add3A_278, %mul3A_277 : i32
      %get3A = arith.constant 0 : i32
      %get3A_280 = arith.index_cast %get3A : i32 to index
      %get3A_281 = arith.index_cast %add3A_279 : i32 to index
      %get3A_282 = tpu.vector_load %arg7[%get3A_280, %get3A_281] {strides = array<i32>} : memref<8x128xi32, #tpu.memory_space<vmem>>, vector<16xi32>,
      %add3A_283 = arith.addi %get3A_282, %mul3A_50 : vector<16xi32>
      tpu.vector_store_idx %arg8[%add3A_283], %broadcast_in_dim3A_51 {add = true} : memref<16384xf32, #tpu.memory_space<vmem>>[vector<16xi32>], vector<16xf32>,
    }
    %scan3A_56 = arith.constant 8 : i32
    %scan3A_57 = arith.constant 0 : i32
    %scan3A_58 = arith.constant 8 : i32
    %scan3A_59 = arith.addi %scan3A_57, %scan3A_58 : i32
    %scan3A_60 = arith.constant 1 : i32
    scf.for %scan3A_275 = %scan3A_57 to %scan3A_59 step %scan3A_60  : i32 {
      %mul3A_276 = arith.constant 16 : i32
      %mul3A_277 = arith.muli %scan3A_275, %mul3A_276 : i32
      %add3A_278 = arith.constant 0 : i32
      %add3A_279 = arith.addi %add3A_278, %mul3A_277 : i32
      %get3A = arith.constant 1 : i32
      %get3A_280 = arith.index_cast %get3A : i32 to index
      %get3A_281 = arith.index_cast %add3A_279 : i32 to index
      %get3A_282 = tpu.vector_load %arg7[%get3A_280, %get3A_281] {strides = array<i32>} : memref<8x128xi32, #tpu.memory_space<vmem>>, vector<16xi32>,
      %add3A_283 = arith.addi %get3A_282, %mul3A_50 : vector<16xi32>
      tpu.vector_store_idx %arg8[%add3A_283], %broadcast_in_dim3A_51 {add = true} : memref<16384xf32, #tpu.memory_space<vmem>>[vector<16xi32>], vector<16xf32>,
    }
    %scan3A_61 = arith.constant 8 : i32
    %scan3A_62 = arith.constant 0 : i32
    %scan3A_63 = arith.constant 8 : i32
    %scan3A_64 = arith.addi %scan3A_62, %scan3A_63 : i32
    %scan3A_65 = arith.constant 1 : i32
    scf.for %scan3A_275 = %scan3A_62 to %scan3A_64 step %scan3A_65  : i32 {
      %mul3A_276 = arith.constant 16 : i32
      %mul3A_277 = arith.muli %scan3A_275, %mul3A_276 : i32
      %add3A_278 = arith.constant 0 : i32
      %add3A_279 = arith.addi %add3A_278, %mul3A_277 : i32
      %get3A = arith.constant 2 : i32
      %get3A_280 = arith.index_cast %get3A : i32 to index
      %get3A_281 = arith.index_cast %add3A_279 : i32 to index
      %get3A_282 = tpu.vector_load %arg7[%get3A_280, %get3A_281] {strides = array<i32>} : memref<8x128xi32, #tpu.memory_space<vmem>>, vector<16xi32>,
      %add3A_283 = arith.addi %get3A_282, %mul3A_50 : vector<16xi32>
      tpu.vector_store_idx %arg8[%add3A_283], %broadcast_in_dim3A_51 {add = true} : memref<16384xf32, #tpu.memory_space<vmem>>[vector<16xi32>], vector<16xf32>,
    }
    %scan3A_66 = arith.constant 8 : i32
    %scan3A_67 = arith.constant 0 : i32
    %scan3A_68 = arith.constant 8 : i32
    %scan3A_69 = arith.addi %scan3A_67, %scan3A_68 : i32
    %scan3A_70 = arith.constant 1 : i32
    scf.for %scan3A_275 = %scan3A_67 to %scan3A_69 step %scan3A_70  : i32 {
      %mul3A_276 = arith.constant 16 : i32
      %mul3A_277 = arith.muli %scan3A_275, %mul3A_276 : i32
      %add3A_278 = arith.constant 0 : i32
      %add3A_279 = arith.addi %add3A_278, %mul3A_277 : i32
      %get3A = arith.constant 3 : i32
      %get3A_280 = arith.index_cast %get3A : i32 to index
      %get3A_281 = arith.index_cast %add3A_279 : i32 to index
      %get3A_282 = tpu.vector_load %arg7[%get3A_280, %get3A_281] {strides = array<i32>} : memref<8x128xi32, #tpu.memory_space<vmem>>, vector<16xi32>,
      %add3A_283 = arith.addi %get3A_282, %mul3A_50 : vector<16xi32>
      tpu.vector_store_idx %arg8[%add3A_283], %broadcast_in_dim3A_51 {add = true} : memref<16384xf32, #tpu.memory_space<vmem>>[vector<16xi32>], vector<16xf32>,
    }
    %scan3A_71 = arith.constant 8 : i32
    %scan3A_72 = arith.constant 0 : i32
    %scan3A_73 = arith.constant 8 : i32
    %scan3A_74 = arith.addi %scan3A_72, %scan3A_73 : i32
    %scan3A_75 = arith.constant 1 : i32
    scf.for %scan3A_275 = %scan3A_72 to %scan3A_74 step %scan3A_75  : i32 {
      %mul3A_276 = arith.constant 16 : i32
      %mul3A_277 = arith.muli %scan3A_275, %mul3A_276 : i32
      %add3A_278 = arith.constant 0 : i32
      %add3A_279 = arith.addi %add3A_278, %mul3A_277 : i32
      %get3A = arith.constant 4 : i32
      %get3A_280 = arith.index_cast %get3A : i32 to index
      %get3A_281 = arith.index_cast %add3A_279 : i32 to index
      %get3A_282 = tpu.vector_load %arg7[%get3A_280, %get3A_281] {strides = array<i32>} : memref<8x128xi32, #tpu.memory_space<vmem>>, vector<16xi32>,
      %add3A_283 = arith.addi %get3A_282, %mul3A_50 : vector<16xi32>
      tpu.vector_store_idx %arg8[%add3A_283], %broadcast_in_dim3A_51 {add = true} : memref<16384xf32, #tpu.memory_space<vmem>>[vector<16xi32>], vector<16xf32>,
    }
    %scan3A_76 = arith.constant 8 : i32
    %scan3A_77 = arith.constant 0 : i32
    %scan3A_78 = arith.constant 8 : i32
    %scan3A_79 = arith.addi %scan3A_77, %scan3A_78 : i32
    %scan3A_80 = arith.constant 1 : i32
    scf.for %scan3A_275 = %scan3A_77 to %scan3A_79 step %scan3A_80  : i32 {
      %mul3A_276 = arith.constant 16 : i32
      %mul3A_277 = arith.muli %scan3A_275, %mul3A_276 : i32
      %add3A_278 = arith.constant 0 : i32
      %add3A_279 = arith.addi %add3A_278, %mul3A_277 : i32
      %get3A = arith.constant 5 : i32
      %get3A_280 = arith.index_cast %get3A : i32 to index
      %get3A_281 = arith.index_cast %add3A_279 : i32 to index
      %get3A_282 = tpu.vector_load %arg7[%get3A_280, %get3A_281] {strides = array<i32>} : memref<8x128xi32, #tpu.memory_space<vmem>>, vector<16xi32>,
      %add3A_283 = arith.addi %get3A_282, %mul3A_50 : vector<16xi32>
      tpu.vector_store_idx %arg8[%add3A_283], %broadcast_in_dim3A_51 {add = true} : memref<16384xf32, #tpu.memory_space<vmem>>[vector<16xi32>], vector<16xf32>,
    }
    %scan3A_81 = arith.constant 8 : i32
    %scan3A_82 = arith.constant 0 : i32
    %scan3A_83 = arith.constant 8 : i32
    %scan3A_84 = arith.addi %scan3A_82, %scan3A_83 : i32
    %scan3A_85 = arith.constant 1 : i32
    scf.for %scan3A_275 = %scan3A_82 to %scan3A_84 step %scan3A_85  : i32 {
      %mul3A_276 = arith.constant 16 : i32
      %mul3A_277 = arith.muli %scan3A_275, %mul3A_276 : i32
      %add3A_278 = arith.constant 0 : i32
      %add3A_279 = arith.addi %add3A_278, %mul3A_277 : i32
      %get3A = arith.constant 6 : i32
      %get3A_280 = arith.index_cast %get3A : i32 to index
      %get3A_281 = arith.index_cast %add3A_279 : i32 to index
      %get3A_282 = tpu.vector_load %arg7[%get3A_280, %get3A_281] {strides = array<i32>} : memref<8x128xi32, #tpu.memory_space<vmem>>, vector<16xi32>,
      %add3A_283 = arith.addi %get3A_282, %mul3A_50 : vector<16xi32>
      tpu.vector_store_idx %arg8[%add3A_283], %broadcast_in_dim3A_51 {add = true} : memref<16384xf32, #tpu.memory_space<vmem>>[vector<16xi32>], vector<16xf32>,
    }
    %scan3A_86 = arith.constant 8 : i32
    %scan3A_87 = arith.constant 0 : i32
    %scan3A_88 = arith.constant 8 : i32
    %scan3A_89 = arith.addi %scan3A_87, %scan3A_88 : i32
    %scan3A_90 = arith.constant 1 : i32
    scf.for %scan3A_275 = %scan3A_87 to %scan3A_89 step %scan3A_90  : i32 {
      %mul3A_276 = arith.constant 16 : i32
      %mul3A_277 = arith.muli %scan3A_275, %mul3A_276 : i32
      %add3A_278 = arith.constant 0 : i32
      %add3A_279 = arith.addi %add3A_278, %mul3A_277 : i32
      %get3A = arith.constant 7 : i32
      %get3A_280 = arith.index_cast %get3A : i32 to index
      %get3A_281 = arith.index_cast %add3A_279 : i32 to index
      %get3A_282 = tpu.vector_load %arg7[%get3A_280, %get3A_281] {strides = array<i32>} : memref<8x128xi32, #tpu.memory_space<vmem>>, vector<16xi32>,
      %add3A_283 = arith.addi %get3A_282, %mul3A_50 : vector<16xi32>
      tpu.vector_store_idx %arg8[%add3A_283], %broadcast_in_dim3A_51 {add = true} : memref<16384xf32, #tpu.memory_space<vmem>>[vector<16xi32>], vector<16xf32>,
    }
    %scan3A_91 = arith.constant 8 : i32
    %scan3A_92 = arith.constant 0 : i32
    %scan3A_93 = arith.constant 64 : i32
    %scan3A_94 = arith.addi %scan3A_92, %scan3A_93 : i32
    %scan3A_95 = arith.constant 1 : i32
    scf.for %scan3A_275 = %scan3A_92 to %scan3A_94 step %scan3A_95  : i32 {
      %mul3A_276 = arith.constant 16 : i32
      %mul3A_277 = arith.muli %scan3A_275, %mul3A_276 : i32
      %add3A_278 = arith.constant 0 : i32
      %add3A_279 = arith.addi %add3A_278, %mul3A_277 : i32
      %get3A = arith.index_cast %add3A_279 : i32 to index
      %get3A_280 = tpu.vector_load %arg8[%get3A] {strides = array<i32>} : memref<16384xf32, #tpu.memory_space<vmem>>, vector<16xf32>,
      %add3A_281 = arith.constant 1024 : i32
      %add3A_282 = arith.addi %add3A_281, %add3A_279 : i32
      %get3A_283 = arith.index_cast %add3A_282 : i32 to index
      %get3A_284 = tpu.vector_load %arg8[%get3A_283] {strides = array<i32>} : memref<16384xf32, #tpu.memory_space<vmem>>, vector<16xf32>,
      %add3A_285 = arith.addf %get3A_280, %get3A_284 : vector<16xf32>
      %add3A_286 = arith.constant 2048 : i32
      %add3A_287 = arith.addi %add3A_286, %add3A_279 : i32
      %get3A_288 = arith.index_cast %add3A_287 : i32 to index
      %get3A_289 = tpu.vector_load %arg8[%get3A_288] {strides = array<i32>} : memref<16384xf32, #tpu.memory_space<vmem>>, vector<16xf32>,
      %add3A_290 = arith.addf %add3A_285, %get3A_289 : vector<16xf32>
      %add3A_291 = arith.constant 3072 : i32
      %add3A_292 = arith.addi %add3A_291, %add3A_279 : i32
      %get3A_293 = arith.index_cast %add3A_292 : i32 to index
      %get3A_294 = tpu.vector_load %arg8[%get3A_293] {strides = array<i32>} : memref<16384xf32, #tpu.memory_space<vmem>>, vector<16xf32>,
      %add3A_295 = arith.addf %add3A_290, %get3A_294 : vector<16xf32>
      %add3A_296 = arith.constant 4096 : i32
      %add3A_297 = arith.addi %add3A_296, %add3A_279 : i32
      %get3A_298 = arith.index_cast %add3A_297 : i32 to index
      %get3A_299 = tpu.vector_load %arg8[%get3A_298] {strides = array<i32>} : memref<16384xf32, #tpu.memory_space<vmem>>, vector<16xf32>,
      %add3A_300 = arith.addf %add3A_295, %get3A_299 : vector<16xf32>
      %add3A_301 = arith.constant 5120 : i32
      %add3A_302 = arith.addi %add3A_301, %add3A_279 : i32
      %get3A_303 = arith.index_cast %add3A_302 : i32 to index
      %get3A_304 = tpu.vector_load %arg8[%get3A_303] {strides = array<i32>} : memref<16384xf32, #tpu.memory_space<vmem>>, vector<16xf32>,
      %add3A_305 = arith.addf %add3A_300, %get3A_304 : vector<16xf32>
      %add3A_306 = arith.constant 6144 : i32
      %add3A_307 = arith.addi %add3A_306, %add3A_279 : i32
      %get3A_308 = arith.index_cast %add3A_307 : i32 to index
      %get3A_309 = tpu.vector_load %arg8[%get3A_308] {strides = array<i32>} : memref<16384xf32, #tpu.memory_space<vmem>>, vector<16xf32>,
      %add3A_310 = arith.addf %add3A_305, %get3A_309 : vector<16xf32>
      %add3A_311 = arith.constant 7168 : i32
      %add3A_312 = arith.addi %add3A_311, %add3A_279 : i32
      %get3A_313 = arith.index_cast %add3A_312 : i32 to index
      %get3A_314 = tpu.vector_load %arg8[%get3A_313] {strides = array<i32>} : memref<16384xf32, #tpu.memory_space<vmem>>, vector<16xf32>,
      %add3A_315 = arith.addf %add3A_310, %get3A_314 : vector<16xf32>
      %add3A_316 = arith.constant 8192 : i32
      %add3A_317 = arith.addi %add3A_316, %add3A_279 : i32
      %get3A_318 = arith.index_cast %add3A_317 : i32 to index
      %get3A_319 = tpu.vector_load %arg8[%get3A_318] {strides = array<i32>} : memref<16384xf32, #tpu.memory_space<vmem>>, vector<16xf32>,
      %add3A_320 = arith.addf %add3A_315, %get3A_319 : vector<16xf32>
      %add3A_321 = arith.constant 9216 : i32
      %add3A_322 = arith.addi %add3A_321, %add3A_279 : i32
      %get3A_323 = arith.index_cast %add3A_322 : i32 to index
      %get3A_324 = tpu.vector_load %arg8[%get3A_323] {strides = array<i32>} : memref<16384xf32, #tpu.memory_space<vmem>>, vector<16xf32>,
      %add3A_325 = arith.addf %add3A_320, %get3A_324 : vector<16xf32>
      %add3A_326 = arith.constant 10240 : i32
      %add3A_327 = arith.addi %add3A_326, %add3A_279 : i32
      %get3A_328 = arith.index_cast %add3A_327 : i32 to index
      %get3A_329 = tpu.vector_load %arg8[%get3A_328] {strides = array<i32>} : memref<16384xf32, #tpu.memory_space<vmem>>, vector<16xf32>,
      %add3A_330 = arith.addf %add3A_325, %get3A_329 : vector<16xf32>
      %add3A_331 = arith.constant 11264 : i32
      %add3A_332 = arith.addi %add3A_331, %add3A_279 : i32
      %get3A_333 = arith.index_cast %add3A_332 : i32 to index
      %get3A_334 = tpu.vector_load %arg8[%get3A_333] {strides = array<i32>} : memref<16384xf32, #tpu.memory_space<vmem>>, vector<16xf32>,
      %add3A_335 = arith.addf %add3A_330, %get3A_334 : vector<16xf32>
      %add3A_336 = arith.constant 12288 : i32
      %add3A_337 = arith.addi %add3A_336, %add3A_279 : i32
      %get3A_338 = arith.index_cast %add3A_337 : i32 to index
      %get3A_339 = tpu.vector_load %arg8[%get3A_338] {strides = array<i32>} : memref<16384xf32, #tpu.memory_space<vmem>>, vector<16xf32>,
      %add3A_340 = arith.addf %add3A_335, %get3A_339 : vector<16xf32>
      %add3A_341 = arith.constant 13312 : i32
      %add3A_342 = arith.addi %add3A_341, %add3A_279 : i32
      %get3A_343 = arith.index_cast %add3A_342 : i32 to index
      %get3A_344 = tpu.vector_load %arg8[%get3A_343] {strides = array<i32>} : memref<16384xf32, #tpu.memory_space<vmem>>, vector<16xf32>,
      %add3A_345 = arith.addf %add3A_340, %get3A_344 : vector<16xf32>
      %add3A_346 = arith.constant 14336 : i32
      %add3A_347 = arith.addi %add3A_346, %add3A_279 : i32
      %get3A_348 = arith.index_cast %add3A_347 : i32 to index
      %get3A_349 = tpu.vector_load %arg8[%get3A_348] {strides = array<i32>} : memref<16384xf32, #tpu.memory_space<vmem>>, vector<16xf32>,
      %add3A_350 = arith.addf %add3A_345, %get3A_349 : vector<16xf32>
      %add3A_351 = arith.constant 15360 : i32
      %add3A_352 = arith.addi %add3A_351, %add3A_279 : i32
      %get3A_353 = arith.index_cast %add3A_352 : i32 to index
      %get3A_354 = tpu.vector_load %arg8[%get3A_353] {strides = array<i32>} : memref<16384xf32, #tpu.memory_space<vmem>>, vector<16xf32>,
      %add3A_355 = arith.addf %add3A_350, %get3A_354 : vector<16xf32>
      %swap3A = arith.index_cast %add3A_279 : i32 to index
      %swap3A_356 = tpu.vector_load %arg9[%swap3A] {strides = array<i32>} : memref<1024xf32, #tpu.memory_space<vmem>>, vector<16xf32>,
      tpu.vector_store %arg9[%swap3A], %add3A_355 {strides = array<i32>} : memref<1024xf32, #tpu.memory_space<vmem>>, vector<16xf32>,
    }
    %scan3A_96 = arith.constant 64 : i32
    %dma_wait3A = arith.constant 0 : i32
    %dma_wait3A_97 = arith.constant 0 : i32
    %dma_wait3A_98 = arith.constant 0 : i32
    %dma_wait3A_99 = tpu.memref_slice %arg11[%dma_wait3A_97, %dma_wait3A_98] : memref<512x128xf32, #tpu.memory_space<vmem>> -> memref<128x128xf32, #tpu.memory_space<vmem>>
    %dma_wait3A_100 = arith.constant 0 : i32
    %dma_wait3A_101 = tpu.memref_slice %arg6[%dma_wait3A, %dma_wait3A_100] : memref<4x128xi32, #tpu.memory_space<vmem>> -> memref<1x128xi32, #tpu.memory_space<vmem>>
    %dma_wait3A_102 = tpu.memref_squeeze %dma_wait3A_101 : memref<1x128xi32, #tpu.memory_space<vmem>> -> memref<128xi32, #tpu.memory_space<vmem>>
    %dma_wait3A_103 = arith.constant 0 : i32
    %dma_wait3A_104 = arith.constant 0 : i32
    %dma_wait3A_105 = tpu.memref_slice %arg2[%dma_wait3A_103, %dma_wait3A_104] : memref<1000x128xf32, #tpu.memory_space<hbm>> -> memref<1000x128xf32, #tpu.memory_space<hbm>>
    tpu.wait_indirect_dma semaphore(%arg14 : memref<!tpu.dma_semaphore, #tpu.memory_space<semaphore_mem>>) src(%dma_wait3A_105 : memref<1000x128xf32, #tpu.memory_space<hbm>>) dst(%dma_wait3A_99 : memref<128x128xf32, #tpu.memory_space<vmem>>)
    %mul3A_106 = arith.constant 512 : i32
    %mul3A_107 = arith.muli %add3A, %mul3A_106 : i32
    %add3A_108 = arith.constant 0 : i32
    %add3A_109 = arith.addi %mul3A_107, %add3A_108 : i32
    %dma_start3A_110 = arith.constant 0 : i32
    %dma_start3A_111 = arith.constant 0 : i32
    %dma_start3A_112 = tpu.memref_slice %arg11[%dma_start3A_110, %dma_start3A_111] : memref<512x128xf32, #tpu.memory_space<vmem>> -> memref<128x128xf32, #tpu.memory_space<vmem>>
    %dma_start3A_113 = arith.constant 0 : i32
    %dma_start3A_114 = tpu.memref_slice %arg4[%add3A_109, %dma_start3A_113] : memref<16384x128xf32, #tpu.memory_space<hbm>> -> memref<128x128xf32, #tpu.memory_space<hbm>>
    %dma_start3A_115 = arith.constant 0 : i32
    %dma_start3A_116 = tpu.memref_slice %arg4[%add3A_109, %dma_start3A_115] : memref<16384x128xf32, #tpu.memory_space<hbm>> -> memref<128x128xf32, #tpu.memory_space<hbm>>
    %dma_start3A_117 = arith.constant 0 : i32
    %dma_start3A_118 = arith.constant 0 : i32
    %dma_start3A_119 = tpu.memref_slice %arg11[%dma_start3A_117, %dma_start3A_118] : memref<512x128xf32, #tpu.memory_space<vmem>> -> memref<128x128xf32, #tpu.memory_space<vmem>>
    tpu.enqueue_dma source(%dma_start3A_119 : memref<128x128xf32, #tpu.memory_space<vmem>>) target(%dma_start3A_116 : memref<128x128xf32, #tpu.memory_space<hbm>>) target_semaphore(%arg15 : memref<!tpu.dma_semaphore, #tpu.memory_space<semaphore_mem>>)
    %dma_wait3A_120 = arith.constant 1 : i32
    %dma_wait3A_121 = arith.constant 128 : i32
    %dma_wait3A_122 = arith.constant 0 : i32
    %dma_wait3A_123 = tpu.memref_slice %arg11[%dma_wait3A_121, %dma_wait3A_122] : memref<512x128xf32, #tpu.memory_space<vmem>> -> memref<128x128xf32, #tpu.memory_space<vmem>>
    %dma_wait3A_124 = arith.constant 0 : i32
    %dma_wait3A_125 = tpu.memref_slice %arg6[%dma_wait3A_120, %dma_wait3A_124] : memref<4x128xi32, #tpu.memory_space<vmem>> -> memref<1x128xi32, #tpu.memory_space<vmem>>
    %dma_wait3A_126 = tpu.memref_squeeze %dma_wait3A_125 : memref<1x128xi32, #tpu.memory_space<vmem>> -> memref<128xi32, #tpu.memory_space<vmem>>
    %dma_wait3A_127 = arith.constant 0 : i32
    %dma_wait3A_128 = arith.constant 0 : i32
    %dma_wait3A_129 = tpu.memref_slice %arg2[%dma_wait3A_127, %dma_wait3A_128] : memref<1000x128xf32, #tpu.memory_space<hbm>> -> memref<1000x128xf32, #tpu.memory_space<hbm>>
    tpu.wait_indirect_dma semaphore(%arg14 : memref<!tpu.dma_semaphore, #tpu.memory_space<semaphore_mem>>) src(%dma_wait3A_129 : memref<1000x128xf32, #tpu.memory_space<hbm>>) dst(%dma_wait3A_123 : memref<128x128xf32, #tpu.memory_space<vmem>>)
    %mul3A_130 = arith.constant 512 : i32
    %mul3A_131 = arith.muli %add3A, %mul3A_130 : i32
    %add3A_132 = arith.constant 128 : i32
    %add3A_133 = arith.addi %mul3A_131, %add3A_132 : i32
    %dma_start3A_134 = arith.constant 128 : i32
    %dma_start3A_135 = arith.constant 0 : i32
    %dma_start3A_136 = tpu.memref_slice %arg11[%dma_start3A_134, %dma_start3A_135] : memref<512x128xf32, #tpu.memory_space<vmem>> -> memref<128x128xf32, #tpu.memory_space<vmem>>
    %dma_start3A_137 = arith.constant 0 : i32
    %dma_start3A_138 = tpu.memref_slice %arg4[%add3A_133, %dma_start3A_137] : memref<16384x128xf32, #tpu.memory_space<hbm>> -> memref<128x128xf32, #tpu.memory_space<hbm>>
    %dma_start3A_139 = arith.constant 0 : i32
    %dma_start3A_140 = tpu.memref_slice %arg4[%add3A_133, %dma_start3A_139] : memref<16384x128xf32, #tpu.memory_space<hbm>> -> memref<128x128xf32, #tpu.memory_space<hbm>>
    %dma_start3A_141 = arith.constant 128 : i32
    %dma_start3A_142 = arith.constant 0 : i32
    %dma_start3A_143 = tpu.memref_slice %arg11[%dma_start3A_141, %dma_start3A_142] : memref<512x128xf32, #tpu.memory_space<vmem>> -> memref<128x128xf32, #tpu.memory_space<vmem>>
    tpu.enqueue_dma source(%dma_start3A_143 : memref<128x128xf32, #tpu.memory_space<vmem>>) target(%dma_start3A_140 : memref<128x128xf32, #tpu.memory_space<hbm>>) target_semaphore(%arg15 : memref<!tpu.dma_semaphore, #tpu.memory_space<semaphore_mem>>)
    %dma_wait3A_144 = arith.constant 2 : i32
    %dma_wait3A_145 = arith.constant 256 : i32
    %dma_wait3A_146 = arith.constant 0 : i32
    %dma_wait3A_147 = tpu.memref_slice %arg11[%dma_wait3A_145, %dma_wait3A_146] : memref<512x128xf32, #tpu.memory_space<vmem>> -> memref<128x128xf32, #tpu.memory_space<vmem>>
    %dma_wait3A_148 = arith.constant 0 : i32
    %dma_wait3A_149 = tpu.memref_slice %arg6[%dma_wait3A_144, %dma_wait3A_148] : memref<4x128xi32, #tpu.memory_space<vmem>> -> memref<1x128xi32, #tpu.memory_space<vmem>>
    %dma_wait3A_150 = tpu.memref_squeeze %dma_wait3A_149 : memref<1x128xi32, #tpu.memory_space<vmem>> -> memref<128xi32, #tpu.memory_space<vmem>>
    %dma_wait3A_151 = arith.constant 0 : i32
    %dma_wait3A_152 = arith.constant 0 : i32
    %dma_wait3A_153 = tpu.memref_slice %arg2[%dma_wait3A_151, %dma_wait3A_152] : memref<1000x128xf32, #tpu.memory_space<hbm>> -> memref<1000x128xf32, #tpu.memory_space<hbm>>
    tpu.wait_indirect_dma semaphore(%arg14 : memref<!tpu.dma_semaphore, #tpu.memory_space<semaphore_mem>>) src(%dma_wait3A_153 : memref<1000x128xf32, #tpu.memory_space<hbm>>) dst(%dma_wait3A_147 : memref<128x128xf32, #tpu.memory_space<vmem>>)
    %mul3A_154 = arith.constant 512 : i32
    %mul3A_155 = arith.muli %add3A, %mul3A_154 : i32
    %add3A_156 = arith.constant 256 : i32
    %add3A_157 = arith.addi %mul3A_155, %add3A_156 : i32
    %dma_start3A_158 = arith.constant 256 : i32
    %dma_start3A_159 = arith.constant 0 : i32
    %dma_start3A_160 = tpu.memref_slice %arg11[%dma_start3A_158, %dma_start3A_159] : memref<512x128xf32, #tpu.memory_space<vmem>> -> memref<128x128xf32, #tpu.memory_space<vmem>>
    %dma_start3A_161 = arith.constant 0 : i32
    %dma_start3A_162 = tpu.memref_slice %arg4[%add3A_157, %dma_start3A_161] : memref<16384x128xf32, #tpu.memory_space<hbm>> -> memref<128x128xf32, #tpu.memory_space<hbm>>
    %dma_start3A_163 = arith.constant 0 : i32
    %dma_start3A_164 = tpu.memref_slice %arg4[%add3A_157, %dma_start3A_163] : memref<16384x128xf32, #tpu.memory_space<hbm>> -> memref<128x128xf32, #tpu.memory_space<hbm>>
    %dma_start3A_165 = arith.constant 256 : i32
    %dma_start3A_166 = arith.constant 0 : i32
    %dma_start3A_167 = tpu.memref_slice %arg11[%dma_start3A_165, %dma_start3A_166] : memref<512x128xf32, #tpu.memory_space<vmem>> -> memref<128x128xf32, #tpu.memory_space<vmem>>
    tpu.enqueue_dma source(%dma_start3A_167 : memref<128x128xf32, #tpu.memory_space<vmem>>) target(%dma_start3A_164 : memref<128x128xf32, #tpu.memory_space<hbm>>) target_semaphore(%arg15 : memref<!tpu.dma_semaphore, #tpu.memory_space<semaphore_mem>>)
    %dma_wait3A_168 = arith.constant 3 : i32
    %dma_wait3A_169 = arith.constant 384 : i32
    %dma_wait3A_170 = arith.constant 0 : i32
    %dma_wait3A_171 = tpu.memref_slice %arg11[%dma_wait3A_169, %dma_wait3A_170] : memref<512x128xf32, #tpu.memory_space<vmem>> -> memref<128x128xf32, #tpu.memory_space<vmem>>
    %dma_wait3A_172 = arith.constant 0 : i32
    %dma_wait3A_173 = tpu.memref_slice %arg6[%dma_wait3A_168, %dma_wait3A_172] : memref<4x128xi32, #tpu.memory_space<vmem>> -> memref<1x128xi32, #tpu.memory_space<vmem>>
    %dma_wait3A_174 = tpu.memref_squeeze %dma_wait3A_173 : memref<1x128xi32, #tpu.memory_space<vmem>> -> memref<128xi32, #tpu.memory_space<vmem>>
    %dma_wait3A_175 = arith.constant 0 : i32
    %dma_wait3A_176 = arith.constant 0 : i32
    %dma_wait3A_177 = tpu.memref_slice %arg2[%dma_wait3A_175, %dma_wait3A_176] : memref<1000x128xf32, #tpu.memory_space<hbm>> -> memref<1000x128xf32, #tpu.memory_space<hbm>>
    tpu.wait_indirect_dma semaphore(%arg14 : memref<!tpu.dma_semaphore, #tpu.memory_space<semaphore_mem>>) src(%dma_wait3A_177 : memref<1000x128xf32, #tpu.memory_space<hbm>>) dst(%dma_wait3A_171 : memref<128x128xf32, #tpu.memory_space<vmem>>)
    %mul3A_178 = arith.constant 512 : i32
    %mul3A_179 = arith.muli %add3A, %mul3A_178 : i32
    %add3A_180 = arith.constant 384 : i32
    %add3A_181 = arith.addi %mul3A_179, %add3A_180 : i32
    %dma_start3A_182 = arith.constant 384 : i32
    %dma_start3A_183 = arith.constant 0 : i32
    %dma_start3A_184 = tpu.memref_slice %arg11[%dma_start3A_182, %dma_start3A_183] : memref<512x128xf32, #tpu.memory_space<vmem>> -> memref<128x128xf32, #tpu.memory_space<vmem>>
    %dma_start3A_185 = arith.constant 0 : i32
    %dma_start3A_186 = tpu.memref_slice %arg4[%add3A_181, %dma_start3A_185] : memref<16384x128xf32, #tpu.memory_space<hbm>> -> memref<128x128xf32, #tpu.memory_space<hbm>>
    %dma_start3A_187 = arith.constant 0 : i32
    %dma_start3A_188 = tpu.memref_slice %arg4[%add3A_181, %dma_start3A_187] : memref<16384x128xf32, #tpu.memory_space<hbm>> -> memref<128x128xf32, #tpu.memory_space<hbm>>
    %dma_start3A_189 = arith.constant 384 : i32
    %dma_start3A_190 = arith.constant 0 : i32
    %dma_start3A_191 = tpu.memref_slice %arg11[%dma_start3A_189, %dma_start3A_190] : memref<512x128xf32, #tpu.memory_space<vmem>> -> memref<128x128xf32, #tpu.memory_space<vmem>>
    tpu.enqueue_dma source(%dma_start3A_191 : memref<128x128xf32, #tpu.memory_space<vmem>>) target(%dma_start3A_188 : memref<128x128xf32, #tpu.memory_space<hbm>>) target_semaphore(%arg15 : memref<!tpu.dma_semaphore, #tpu.memory_space<semaphore_mem>>)
    "tpu.region"() ({
      %run_scoped3A = tpu.sem_alloc : memref<!tpu.dma_semaphore, #tpu.memory_space<semaphore_mem>>
      %dma_start3A_275 = arith.constant 0 : i32
      %dma_start3A_276 = tpu.memref_slice %arg13[%arg1, %dma_start3A_275] : memref<16x1024xf32, #tpu.memory_space<vmem_shared>> -> memref<1x1024xf32, #tpu.memory_space<vmem_shared>>
      %dma_start3A_277 = tpu.memref_squeeze %dma_start3A_276 : memref<1x1024xf32, #tpu.memory_space<vmem_shared>> -> memref<1024xf32, #tpu.memory_space<vmem_shared>>
      %dma_start3A_278 = arith.constant 0 : i32
      %dma_start3A_279 = tpu.memref_slice %arg13[%arg1, %dma_start3A_278] : memref<16x1024xf32, #tpu.memory_space<vmem_shared>> -> memref<1x1024xf32, #tpu.memory_space<vmem_shared>>
      %dma_start3A_280 = tpu.memref_squeeze %dma_start3A_279 : memref<1x1024xf32, #tpu.memory_space<vmem_shared>> -> memref<1024xf32, #tpu.memory_space<vmem_shared>>
      tpu.enqueue_dma source(%arg9 : memref<1024xf32, #tpu.memory_space<vmem>>) target(%dma_start3A_280 : memref<1024xf32, #tpu.memory_space<vmem_shared>>) target_semaphore(%run_scoped3A : memref<!tpu.dma_semaphore, #tpu.memory_space<semaphore_mem>>)
      %dma_wait3A_281 = arith.constant 0 : i32
      %dma_wait3A_282 = tpu.memref_slice %arg13[%arg1, %dma_wait3A_281] : memref<16x1024xf32, #tpu.memory_space<vmem_shared>> -> memref<1x1024xf32, #tpu.memory_space<vmem_shared>>
      %dma_wait3A_283 = tpu.memref_squeeze %dma_wait3A_282 : memref<1x1024xf32, #tpu.memory_space<vmem_shared>> -> memref<1024xf32, #tpu.memory_space<vmem_shared>>
      %dma_wait3A_284 = arith.constant 0 : i32
      %dma_wait3A_285 = tpu.memref_slice %arg13[%arg1, %dma_wait3A_284] : memref<16x1024xf32, #tpu.memory_space<vmem_shared>> -> memref<1x1024xf32, #tpu.memory_space<vmem_shared>>
      %dma_wait3A_286 = tpu.memref_squeeze %dma_wait3A_285 : memref<1x1024xf32, #tpu.memory_space<vmem_shared>> -> memref<1024xf32, #tpu.memory_space<vmem_shared>>
      tpu.wait_dma2 semaphore(%run_scoped3A : memref<!tpu.dma_semaphore, #tpu.memory_space<semaphore_mem>>) src(%arg9 : memref<1024xf32, #tpu.memory_space<vmem>>) dst(%dma_wait3A_286 : memref<1024xf32, #tpu.memory_space<vmem_shared>>)
      tpu.yield
    }) : () -> ()
    %barrier3A = arith.constant 0 : index
    tpu.barrier barrier_id(%barrier3A)
    "tpu.region"() ({
      %run_scoped3A = tpu.sem_alloc : memref<!tpu.dma_semaphore, #tpu.memory_space<semaphore_mem>>
      tpu.enqueue_dma source(%arg13 : memref<16x1024xf32, #tpu.memory_space<vmem_shared>>) target(%arg10 : memref<16x1024xf32, #tpu.memory_space<vmem>>) target_semaphore(%run_scoped3A : memref<!tpu.dma_semaphore, #tpu.memory_space<semaphore_mem>>)
      tpu.wait_dma2 semaphore(%run_scoped3A : memref<!tpu.dma_semaphore, #tpu.memory_space<semaphore_mem>>) src(%arg13 : memref<16x1024xf32, #tpu.memory_space<vmem_shared>>) dst(%arg10 : memref<16x1024xf32, #tpu.memory_space<vmem>>)
      tpu.yield
    }) : () -> ()
    %scan3A_192 = arith.constant 0 : i32
    %scan3A_193 = arith.constant 64 : i32
    %scan3A_194 = arith.addi %scan3A_192, %scan3A_193 : i32
    %scan3A_195 = arith.constant 1 : i32
    scf.for %scan3A_275 = %scan3A_192 to %scan3A_194 step %scan3A_195  : i32 {
      %mul3A_276 = arith.constant 16 : i32
      %mul3A_277 = arith.muli %scan3A_275, %mul3A_276 : i32
      %add3A_278 = arith.constant 0 : i32
      %add3A_279 = arith.addi %add3A_278, %mul3A_277 : i32
      %get3A = arith.constant 0 : i32
      %get3A_280 = arith.index_cast %get3A : i32 to index
      %get3A_281 = arith.index_cast %add3A_279 : i32 to index
      %get3A_282 = tpu.vector_load %arg10[%get3A_280, %get3A_281] {strides = array<i32>} : memref<16x1024xf32, #tpu.memory_space<vmem>>, vector<16xf32>,
      %get3A_283 = arith.constant 1 : i32
      %get3A_284 = arith.index_cast %get3A_283 : i32 to index
      %get3A_285 = arith.index_cast %add3A_279 : i32 to index
      %get3A_286 = tpu.vector_load %arg10[%get3A_284, %get3A_285] {strides = array<i32>} : memref<16x1024xf32, #tpu.memory_space<vmem>>, vector<16xf32>,
      %add3A_287 = arith.addf %get3A_282, %get3A_286 : vector<16xf32>
      %get3A_288 = arith.constant 2 : i32
      %get3A_289 = arith.index_cast %get3A_288 : i32 to index
      %get3A_290 = arith.index_cast %add3A_279 : i32 to index
      %get3A_291 = tpu.vector_load %arg10[%get3A_289, %get3A_290] {strides = array<i32>} : memref<16x1024xf32, #tpu.memory_space<vmem>>, vector<16xf32>,
      %add3A_292 = arith.addf %add3A_287, %get3A_291 : vector<16xf32>
      %get3A_293 = arith.constant 3 : i32
      %get3A_294 = arith.index_cast %get3A_293 : i32 to index
      %get3A_295 = arith.index_cast %add3A_279 : i32 to index
      %get3A_296 = tpu.vector_load %arg10[%get3A_294, %get3A_295] {strides = array<i32>} : memref<16x1024xf32, #tpu.memory_space<vmem>>, vector<16xf32>,
      %add3A_297 = arith.addf %add3A_292, %get3A_296 : vector<16xf32>
      %get3A_298 = arith.constant 4 : i32
      %get3A_299 = arith.index_cast %get3A_298 : i32 to index
      %get3A_300 = arith.index_cast %add3A_279 : i32 to index
      %get3A_301 = tpu.vector_load %arg10[%get3A_299, %get3A_300] {strides = array<i32>} : memref<16x1024xf32, #tpu.memory_space<vmem>>, vector<16xf32>,
      %add3A_302 = arith.addf %add3A_297, %get3A_301 : vector<16xf32>
      %get3A_303 = arith.constant 5 : i32
      %get3A_304 = arith.index_cast %get3A_303 : i32 to index
      %get3A_305 = arith.index_cast %add3A_279 : i32 to index
      %get3A_306 = tpu.vector_load %arg10[%get3A_304, %get3A_305] {strides = array<i32>} : memref<16x1024xf32, #tpu.memory_space<vmem>>, vector<16xf32>,
      %add3A_307 = arith.addf %add3A_302, %get3A_306 : vector<16xf32>
      %get3A_308 = arith.constant 6 : i32
      %get3A_309 = arith.index_cast %get3A_308 : i32 to index
      %get3A_310 = arith.index_cast %add3A_279 : i32 to index
      %get3A_311 = tpu.vector_load %arg10[%get3A_309, %get3A_310] {strides = array<i32>} : memref<16x1024xf32, #tpu.memory_space<vmem>>, vector<16xf32>,
      %add3A_312 = arith.addf %add3A_307, %get3A_311 : vector<16xf32>
      %get3A_313 = arith.constant 7 : i32
      %get3A_314 = arith.index_cast %get3A_313 : i32 to index
      %get3A_315 = arith.index_cast %add3A_279 : i32 to index
      %get3A_316 = tpu.vector_load %arg10[%get3A_314, %get3A_315] {strides = array<i32>} : memref<16x1024xf32, #tpu.memory_space<vmem>>, vector<16xf32>,
      %add3A_317 = arith.addf %add3A_312, %get3A_316 : vector<16xf32>
      %get3A_318 = arith.constant 8 : i32
      %get3A_319 = arith.index_cast %get3A_318 : i32 to index
      %get3A_320 = arith.index_cast %add3A_279 : i32 to index
      %get3A_321 = tpu.vector_load %arg10[%get3A_319, %get3A_320] {strides = array<i32>} : memref<16x1024xf32, #tpu.memory_space<vmem>>, vector<16xf32>,
      %add3A_322 = arith.addf %add3A_317, %get3A_321 : vector<16xf32>
      %get3A_323 = arith.constant 9 : i32
      %get3A_324 = arith.index_cast %get3A_323 : i32 to index
      %get3A_325 = arith.index_cast %add3A_279 : i32 to index
      %get3A_326 = tpu.vector_load %arg10[%get3A_324, %get3A_325] {strides = array<i32>} : memref<16x1024xf32, #tpu.memory_space<vmem>>, vector<16xf32>,
      %add3A_327 = arith.addf %add3A_322, %get3A_326 : vector<16xf32>
      %get3A_328 = arith.constant 10 : i32
      %get3A_329 = arith.index_cast %get3A_328 : i32 to index
      %get3A_330 = arith.index_cast %add3A_279 : i32 to index
      %get3A_331 = tpu.vector_load %arg10[%get3A_329, %get3A_330] {strides = array<i32>} : memref<16x1024xf32, #tpu.memory_space<vmem>>, vector<16xf32>,
      %add3A_332 = arith.addf %add3A_327, %get3A_331 : vector<16xf32>
      %get3A_333 = arith.constant 11 : i32
      %get3A_334 = arith.index_cast %get3A_333 : i32 to index
      %get3A_335 = arith.index_cast %add3A_279 : i32 to index
      %get3A_336 = tpu.vector_load %arg10[%get3A_334, %get3A_335] {strides = array<i32>} : memref<16x1024xf32, #tpu.memory_space<vmem>>, vector<16xf32>,
      %add3A_337 = arith.addf %add3A_332, %get3A_336 : vector<16xf32>
      %get3A_338 = arith.constant 12 : i32
      %get3A_339 = arith.index_cast %get3A_338 : i32 to index
      %get3A_340 = arith.index_cast %add3A_279 : i32 to index
      %get3A_341 = tpu.vector_load %arg10[%get3A_339, %get3A_340] {strides = array<i32>} : memref<16x1024xf32, #tpu.memory_space<vmem>>, vector<16xf32>,
      %add3A_342 = arith.addf %add3A_337, %get3A_341 : vector<16xf32>
      %get3A_343 = arith.constant 13 : i32
      %get3A_344 = arith.index_cast %get3A_343 : i32 to index
      %get3A_345 = arith.index_cast %add3A_279 : i32 to index
      %get3A_346 = tpu.vector_load %arg10[%get3A_344, %get3A_345] {strides = array<i32>} : memref<16x1024xf32, #tpu.memory_space<vmem>>, vector<16xf32>,
      %add3A_347 = arith.addf %add3A_342, %get3A_346 : vector<16xf32>
      %get3A_348 = arith.constant 14 : i32
      %get3A_349 = arith.index_cast %get3A_348 : i32 to index
      %get3A_350 = arith.index_cast %add3A_279 : i32 to index
      %get3A_351 = tpu.vector_load %arg10[%get3A_349, %get3A_350] {strides = array<i32>} : memref<16x1024xf32, #tpu.memory_space<vmem>>, vector<16xf32>,
      %add3A_352 = arith.addf %add3A_347, %get3A_351 : vector<16xf32>
      %get3A_353 = arith.constant 15 : i32
      %get3A_354 = arith.index_cast %get3A_353 : i32 to index
      %get3A_355 = arith.index_cast %add3A_279 : i32 to index
      %get3A_356 = tpu.vector_load %arg10[%get3A_354, %get3A_355] {strides = array<i32>} : memref<16x1024xf32, #tpu.memory_space<vmem>>, vector<16xf32>,
      %add3A_357 = arith.addf %add3A_352, %get3A_356 : vector<16xf32>
      %swap3A = arith.index_cast %add3A_279 : i32 to index
      %swap3A_358 = tpu.vector_load %arg9[%swap3A] {strides = array<i32>} : memref<1024xf32, #tpu.memory_space<vmem>>, vector<16xf32>,
      tpu.vector_store %arg9[%swap3A], %add3A_357 {strides = array<i32>} : memref<1024xf32, #tpu.memory_space<vmem>>, vector<16xf32>,
    }
    %scan3A_196 = arith.constant 64 : i32
    %scan3A_197 = arith.constant 0 : i32
    %scan3A_198 = arith.constant 8 : i32
    %scan3A_199 = arith.addi %scan3A_197, %scan3A_198 : i32
    %scan3A_200 = arith.constant 1 : i32
    scf.for %scan3A_275 = %scan3A_197 to %scan3A_199 step %scan3A_200  : i32 {
      %mul3A_276 = arith.constant 16 : i32
      %mul3A_277 = arith.muli %scan3A_275, %mul3A_276 : i32
      %add3A_278 = arith.constant 0 : i32
      %add3A_279 = arith.addi %add3A_278, %mul3A_277 : i32
      %get3A = arith.constant 0 : i32
      %get3A_280 = arith.index_cast %get3A : i32 to index
      %get3A_281 = arith.index_cast %add3A_279 : i32 to index
      %get3A_282 = tpu.vector_load %arg6[%get3A_280, %get3A_281] {strides = array<i32>} : memref<4x128xi32, #tpu.memory_space<vmem>>, vector<16xi32>,
      %gather3A = tpu.vector_load_idx %arg9[%get3A_282] : memref<1024xf32, #tpu.memory_space<vmem>>[vector<16xi32>], vector<16xf32>,
      %div3A = arith.constant 1.000000e+00 : f32
      %div3A_283 = vector.broadcast %div3A : f32 to vector<16xf32>
      %div3A_284 = arith.divf %div3A_283, %gather3A : vector<16xf32>
      %add3A_285 = arith.constant 0 : i32
      %add3A_286 = arith.addi %add3A_285, %add3A_279 : i32
      %swap3A = arith.index_cast %add3A_286 : i32 to index
      %swap3A_287 = tpu.vector_load %arg12[%swap3A] {strides = array<i32>} : memref<512xf32, #tpu.memory_space<vmem>>, vector<16xf32>,
      tpu.vector_store %arg12[%swap3A], %div3A_284 {strides = array<i32>} : memref<512xf32, #tpu.memory_space<vmem>>, vector<16xf32>,
    }
    %scan3A_201 = arith.constant 8 : i32
    %scan3A_202 = arith.constant 0 : i32
    %scan3A_203 = arith.constant 8 : i32
    %scan3A_204 = arith.addi %scan3A_202, %scan3A_203 : i32
    %scan3A_205 = arith.constant 1 : i32
    scf.for %scan3A_275 = %scan3A_202 to %scan3A_204 step %scan3A_205  : i32 {
      %mul3A_276 = arith.constant 16 : i32
      %mul3A_277 = arith.muli %scan3A_275, %mul3A_276 : i32
      %add3A_278 = arith.constant 0 : i32
      %add3A_279 = arith.addi %add3A_278, %mul3A_277 : i32
      %get3A = arith.constant 1 : i32
      %get3A_280 = arith.index_cast %get3A : i32 to index
      %get3A_281 = arith.index_cast %add3A_279 : i32 to index
      %get3A_282 = tpu.vector_load %arg6[%get3A_280, %get3A_281] {strides = array<i32>} : memref<4x128xi32, #tpu.memory_space<vmem>>, vector<16xi32>,
      %gather3A = tpu.vector_load_idx %arg9[%get3A_282] : memref<1024xf32, #tpu.memory_space<vmem>>[vector<16xi32>], vector<16xf32>,
      %div3A = arith.constant 1.000000e+00 : f32
      %div3A_283 = vector.broadcast %div3A : f32 to vector<16xf32>
      %div3A_284 = arith.divf %div3A_283, %gather3A : vector<16xf32>
      %add3A_285 = arith.constant 128 : i32
      %add3A_286 = arith.addi %add3A_285, %add3A_279 : i32
      %swap3A = arith.index_cast %add3A_286 : i32 to index
      %swap3A_287 = tpu.vector_load %arg12[%swap3A] {strides = array<i32>} : memref<512xf32, #tpu.memory_space<vmem>>, vector<16xf32>,
      tpu.vector_store %arg12[%swap3A], %div3A_284 {strides = array<i32>} : memref<512xf32, #tpu.memory_space<vmem>>, vector<16xf32>,
    }
    %scan3A_206 = arith.constant 8 : i32
    %scan3A_207 = arith.constant 0 : i32
    %scan3A_208 = arith.constant 8 : i32
    %scan3A_209 = arith.addi %scan3A_207, %scan3A_208 : i32
    %scan3A_210 = arith.constant 1 : i32
    scf.for %scan3A_275 = %scan3A_207 to %scan3A_209 step %scan3A_210  : i32 {
      %mul3A_276 = arith.constant 16 : i32
      %mul3A_277 = arith.muli %scan3A_275, %mul3A_276 : i32
      %add3A_278 = arith.constant 0 : i32
      %add3A_279 = arith.addi %add3A_278, %mul3A_277 : i32
      %get3A = arith.constant 2 : i32
      %get3A_280 = arith.index_cast %get3A : i32 to index
      %get3A_281 = arith.index_cast %add3A_279 : i32 to index
      %get3A_282 = tpu.vector_load %arg6[%get3A_280, %get3A_281] {strides = array<i32>} : memref<4x128xi32, #tpu.memory_space<vmem>>, vector<16xi32>,
      %gather3A = tpu.vector_load_idx %arg9[%get3A_282] : memref<1024xf32, #tpu.memory_space<vmem>>[vector<16xi32>], vector<16xf32>,
      %div3A = arith.constant 1.000000e+00 : f32
      %div3A_283 = vector.broadcast %div3A : f32 to vector<16xf32>
      %div3A_284 = arith.divf %div3A_283, %gather3A : vector<16xf32>
      %add3A_285 = arith.constant 256 : i32
      %add3A_286 = arith.addi %add3A_285, %add3A_279 : i32
      %swap3A = arith.index_cast %add3A_286 : i32 to index
      %swap3A_287 = tpu.vector_load %arg12[%swap3A] {strides = array<i32>} : memref<512xf32, #tpu.memory_space<vmem>>, vector<16xf32>,
      tpu.vector_store %arg12[%swap3A], %div3A_284 {strides = array<i32>} : memref<512xf32, #tpu.memory_space<vmem>>, vector<16xf32>,
    }
    %scan3A_211 = arith.constant 8 : i32
    %scan3A_212 = arith.constant 0 : i32
    %scan3A_213 = arith.constant 8 : i32
    %scan3A_214 = arith.addi %scan3A_212, %scan3A_213 : i32
    %scan3A_215 = arith.constant 1 : i32
    scf.for %scan3A_275 = %scan3A_212 to %scan3A_214 step %scan3A_215  : i32 {
      %mul3A_276 = arith.constant 16 : i32
      %mul3A_277 = arith.muli %scan3A_275, %mul3A_276 : i32
      %add3A_278 = arith.constant 0 : i32
      %add3A_279 = arith.addi %add3A_278, %mul3A_277 : i32
      %get3A = arith.constant 3 : i32
      %get3A_280 = arith.index_cast %get3A : i32 to index
      %get3A_281 = arith.index_cast %add3A_279 : i32 to index
      %get3A_282 = tpu.vector_load %arg6[%get3A_280, %get3A_281] {strides = array<i32>} : memref<4x128xi32, #tpu.memory_space<vmem>>, vector<16xi32>,
      %gather3A = tpu.vector_load_idx %arg9[%get3A_282] : memref<1024xf32, #tpu.memory_space<vmem>>[vector<16xi32>], vector<16xf32>,
      %div3A = arith.constant 1.000000e+00 : f32
      %div3A_283 = vector.broadcast %div3A : f32 to vector<16xf32>
      %div3A_284 = arith.divf %div3A_283, %gather3A : vector<16xf32>
      %add3A_285 = arith.constant 384 : i32
      %add3A_286 = arith.addi %add3A_285, %add3A_279 : i32
      %swap3A = arith.index_cast %add3A_286 : i32 to index
      %swap3A_287 = tpu.vector_load %arg12[%swap3A] {strides = array<i32>} : memref<512xf32, #tpu.memory_space<vmem>>, vector<16xf32>,
      tpu.vector_store %arg12[%swap3A], %div3A_284 {strides = array<i32>} : memref<512xf32, #tpu.memory_space<vmem>>, vector<16xf32>,
    }
    %scan3A_216 = arith.constant 8 : i32
    %mul3A_217 = arith.constant 512 : i32
    %mul3A_218 = arith.muli %add3A, %mul3A_217 : i32
    "tpu.region"() ({
      %run_scoped3A = tpu.sem_alloc : memref<!tpu.dma_semaphore, #tpu.memory_space<semaphore_mem>>
      %dma_start3A_275 = tpu.memref_slice %arg5[%mul3A_218] : memref<16384xf32, #tpu.memory_space<hbm>> -> memref<512xf32, #tpu.memory_space<hbm>>
      %dma_start3A_276 = tpu.memref_slice %arg5[%mul3A_218] : memref<16384xf32, #tpu.memory_space<hbm>> -> memref<512xf32, #tpu.memory_space<hbm>>
      tpu.enqueue_dma source(%arg12 : memref<512xf32, #tpu.memory_space<vmem>>) target(%dma_start3A_276 : memref<512xf32, #tpu.memory_space<hbm>>) target_semaphore(%run_scoped3A : memref<!tpu.dma_semaphore, #tpu.memory_space<semaphore_mem>>)
      %dma_wait3A_277 = tpu.memref_slice %arg5[%mul3A_218] : memref<16384xf32, #tpu.memory_space<hbm>> -> memref<512xf32, #tpu.memory_space<hbm>>
      %dma_wait3A_278 = tpu.memref_slice %arg5[%mul3A_218] : memref<16384xf32, #tpu.memory_space<hbm>> -> memref<512xf32, #tpu.memory_space<hbm>>
      tpu.wait_dma2 semaphore(%run_scoped3A : memref<!tpu.dma_semaphore, #tpu.memory_space<semaphore_mem>>) src(%arg12 : memref<512xf32, #tpu.memory_space<vmem>>) dst(%dma_wait3A_278 : memref<512xf32, #tpu.memory_space<hbm>>)
      tpu.yield
    }) : () -> ()
    %mul3A_219 = arith.constant 512 : i32
    %mul3A_220 = arith.muli %add3A, %mul3A_219 : i32
    %add3A_221 = arith.constant 0 : i32
    %add3A_222 = arith.addi %mul3A_220, %add3A_221 : i32
    %dma_wait3A_223 = arith.constant 0 : i32
    %dma_wait3A_224 = arith.constant 0 : i32
    %dma_wait3A_225 = tpu.memref_slice %arg11[%dma_wait3A_223, %dma_wait3A_224] : memref<512x128xf32, #tpu.memory_space<vmem>> -> memref<128x128xf32, #tpu.memory_space<vmem>>
    %dma_wait3A_226 = arith.constant 0 : i32
    %dma_wait3A_227 = tpu.memref_slice %arg4[%add3A_222, %dma_wait3A_226] : memref<16384x128xf32, #tpu.memory_space<hbm>> -> memref<128x128xf32, #tpu.memory_space<hbm>>
    %dma_wait3A_228 = arith.constant 0 : i32
    %dma_wait3A_229 = tpu.memref_slice %arg4[%add3A_222, %dma_wait3A_228] : memref<16384x128xf32, #tpu.memory_space<hbm>> -> memref<128x128xf32, #tpu.memory_space<hbm>>
    %dma_wait3A_230 = arith.constant 0 : i32
    %dma_wait3A_231 = arith.constant 0 : i32
    %dma_wait3A_232 = tpu.memref_slice %arg11[%dma_wait3A_230, %dma_wait3A_231] : memref<512x128xf32, #tpu.memory_space<vmem>> -> memref<128x128xf32, #tpu.memory_space<vmem>>
    tpu.wait_dma2 semaphore(%arg15 : memref<!tpu.dma_semaphore, #tpu.memory_space<semaphore_mem>>) src(%dma_wait3A_232 : memref<128x128xf32, #tpu.memory_space<vmem>>) dst(%dma_wait3A_229 : memref<128x128xf32, #tpu.memory_space<hbm>>)
    %mul3A_233 = arith.constant 512 : i32
    %mul3A_234 = arith.muli %add3A, %mul3A_233 : i32
    %add3A_235 = arith.constant 128 : i32
    %add3A_236 = arith.addi %mul3A_234, %add3A_235 : i32
    %dma_wait3A_237 = arith.constant 128 : i32
    %dma_wait3A_238 = arith.constant 0 : i32
    %dma_wait3A_239 = tpu.memref_slice %arg11[%dma_wait3A_237, %dma_wait3A_238] : memref<512x128xf32, #tpu.memory_space<vmem>> -> memref<128x128xf32, #tpu.memory_space<vmem>>
    %dma_wait3A_240 = arith.constant 0 : i32
    %dma_wait3A_241 = tpu.memref_slice %arg4[%add3A_236, %dma_wait3A_240] : memref<16384x128xf32, #tpu.memory_space<hbm>> -> memref<128x128xf32, #tpu.memory_space<hbm>>
    %dma_wait3A_242 = arith.constant 0 : i32
    %dma_wait3A_243 = tpu.memref_slice %arg4[%add3A_236, %dma_wait3A_242] : memref<16384x128xf32, #tpu.memory_space<hbm>> -> memref<128x128xf32, #tpu.memory_space<hbm>>
    %dma_wait3A_244 = arith.constant 128 : i32
    %dma_wait3A_245 = arith.constant 0 : i32
    %dma_wait3A_246 = tpu.memref_slice %arg11[%dma_wait3A_244, %dma_wait3A_245] : memref<512x128xf32, #tpu.memory_space<vmem>> -> memref<128x128xf32, #tpu.memory_space<vmem>>
    tpu.wait_dma2 semaphore(%arg15 : memref<!tpu.dma_semaphore, #tpu.memory_space<semaphore_mem>>) src(%dma_wait3A_246 : memref<128x128xf32, #tpu.memory_space<vmem>>) dst(%dma_wait3A_243 : memref<128x128xf32, #tpu.memory_space<hbm>>)
    %mul3A_247 = arith.constant 512 : i32
    %mul3A_248 = arith.muli %add3A, %mul3A_247 : i32
    %add3A_249 = arith.constant 256 : i32
    %add3A_250 = arith.addi %mul3A_248, %add3A_249 : i32
    %dma_wait3A_251 = arith.constant 256 : i32
    %dma_wait3A_252 = arith.constant 0 : i32
    %dma_wait3A_253 = tpu.memref_slice %arg11[%dma_wait3A_251, %dma_wait3A_252] : memref<512x128xf32, #tpu.memory_space<vmem>> -> memref<128x128xf32, #tpu.memory_space<vmem>>
    %dma_wait3A_254 = arith.constant 0 : i32
    %dma_wait3A_255 = tpu.memref_slice %arg4[%add3A_250, %dma_wait3A_254] : memref<16384x128xf32, #tpu.memory_space<hbm>> -> memref<128x128xf32, #tpu.memory_space<hbm>>
    %dma_wait3A_256 = arith.constant 0 : i32
    %dma_wait3A_257 = tpu.memref_slice %arg4[%add3A_250, %dma_wait3A_256] : memref<16384x128xf32, #tpu.memory_space<hbm>> -> memref<128x128xf32, #tpu.memory_space<hbm>>
    %dma_wait3A_258 = arith.constant 256 : i32
    %dma_wait3A_259 = arith.constant 0 : i32
    %dma_wait3A_260 = tpu.memref_slice %arg11[%dma_wait3A_258, %dma_wait3A_259] : memref<512x128xf32, #tpu.memory_space<vmem>> -> memref<128x128xf32, #tpu.memory_space<vmem>>
    tpu.wait_dma2 semaphore(%arg15 : memref<!tpu.dma_semaphore, #tpu.memory_space<semaphore_mem>>) src(%dma_wait3A_260 : memref<128x128xf32, #tpu.memory_space<vmem>>) dst(%dma_wait3A_257 : memref<128x128xf32, #tpu.memory_space<hbm>>)
    %mul3A_261 = arith.constant 512 : i32
    %mul3A_262 = arith.muli %add3A, %mul3A_261 : i32
    %add3A_263 = arith.constant 384 : i32
    %add3A_264 = arith.addi %mul3A_262, %add3A_263 : i32
    %dma_wait3A_265 = arith.constant 384 : i32
    %dma_wait3A_266 = arith.constant 0 : i32
    %dma_wait3A_267 = tpu.memref_slice %arg11[%dma_wait3A_265, %dma_wait3A_266] : memref<512x128xf32, #tpu.memory_space<vmem>> -> memref<128x128xf32, #tpu.memory_space<vmem>>
    %dma_wait3A_268 = arith.constant 0 : i32
    %dma_wait3A_269 = tpu.memref_slice %arg4[%add3A_264, %dma_wait3A_268] : memref<16384x128xf32, #tpu.memory_space<hbm>> -> memref<128x128xf32, #tpu.memory_space<hbm>>
    %dma_wait3A_270 = arith.constant 0 : i32
    %dma_wait3A_271 = tpu.memref_slice %arg4[%add3A_264, %dma_wait3A_270] : memref<16384x128xf32, #tpu.memory_space<hbm>> -> memref<128x128xf32, #tpu.memory_space<hbm>>
    %dma_wait3A_272 = arith.constant 384 : i32
    %dma_wait3A_273 = arith.constant 0 : i32
    %dma_wait3A_274 = tpu.memref_slice %arg11[%dma_wait3A_272, %dma_wait3A_273] : memref<512x128xf32, #tpu.memory_space<vmem>> -> memref<128x128xf32, #tpu.memory_space<vmem>>
    tpu.wait_dma2 semaphore(%arg15 : memref<!tpu.dma_semaphore, #tpu.memory_space<semaphore_mem>>) src(%dma_wait3A_274 : memref<128x128xf32, #tpu.memory_space<vmem>>) dst(%dma_wait3A_271 : memref<128x128xf32, #tpu.memory_space<hbm>>)
    return
  }
}

module attributes {stable_mosaic.version = 14 : i64} {
  func.func @_tc_norm_body(%arg0: i32, %arg1: memref<32x128x128xf32, #tpu.memory_space<vmem>>, %arg2: memref<32x128x128xbf16, #tpu.memory_space<vmem>>) attributes {dimension_semantics = [#tpu.dimension_semantics<parallel>], iteration_bounds = array<i64: 4>, scalar_prefetch = 0 : i64, scratch_operands = 0 : i64, tpu.core_type = #tpu.core_type<tc>, window_params = [{transform_indices = @transform_0, window_bounds = array<i64: 32, 128, 128>}, {transform_indices = @transform_1, window_bounds = array<i64: 32, 128, 128>}]} {
    %get3A = arith.constant 0 : index
    %get3A_0 = arith.constant 0 : index
    %get3A_1 = arith.constant 0 : index
    %get3A_2 = vector.load %arg1[%get3A, %get3A_0, %get3A_1] : memref<32x128x128xf32, #tpu.memory_space<vmem>>, vector<32x128x128xf32>
    %mul3A = arith.mulf %get3A_2, %get3A_2 : vector<32x128x128xf32>
    %reduce_sum3A = arith.constant dense<0.000000e+00> : vector<32x128xf32>
    %reduce_sum3A_3 = vector.multi_reduction <add>, %mul3A, %reduce_sum3A [2] : vector<32x128x128xf32> to vector<32x128xf32>
    %broadcast_in_dim3A = vector.shape_cast %reduce_sum3A_3 : vector<32x128xf32> to vector<32x128x1xf32>
    %sqrt3A = math.sqrt %broadcast_in_dim3A : vector<32x128x1xf32>
    %max3A = arith.constant 9.99999996E-13 : f32
    %max3A_4 = vector.broadcast %max3A : f32 to vector<32x128x1xf32>
    %max3A_5 = arith.maximumf %sqrt3A, %max3A_4 : vector<32x128x1xf32>
    %div3A = arith.constant 1.000000e+00 : f32
    %div3A_6 = vector.broadcast %div3A : f32 to vector<32x128x1xf32>
    %div3A_7 = arith.divf %div3A_6, %max3A_5 : vector<32x128x1xf32>
    %mul3A_8 = vector.broadcast %div3A_7 : vector<32x128x1xf32> to vector<32x128x128xf32>
    %mul3A_9 = arith.mulf %get3A_2, %mul3A_8 : vector<32x128x128xf32>
    %convert_element_type3A = arith.truncf %mul3A_9 : vector<32x128x128xf32> to vector<32x128x128xbf16>
    %swap3A = arith.constant 0 : index
    %swap3A_10 = arith.constant 0 : index
    %swap3A_11 = arith.constant 0 : index
    %swap3A_12 = vector.load %arg2[%swap3A, %swap3A_10, %swap3A_11] : memref<32x128x128xbf16, #tpu.memory_space<vmem>>, vector<32x128x128xbf16>
    tpu.vector_store %arg2[%swap3A, %swap3A_10, %swap3A_11], %convert_element_type3A {strides = array<i32>} : memref<32x128x128xbf16, #tpu.memory_space<vmem>>, vector<32x128x128xbf16>,
    return
  }
  func.func @transform_0(%arg0: i32) -> (i32, i32, i32) {
    %c0_i32 = arith.constant 0 : i32
    %c0_i32_0 = arith.constant 0 : i32
    %c0_i32_1 = arith.constant 0 : i32
    return %arg0, %c0_i32, %c0_i32_0 : i32, i32, i32
  }
  func.func @transform_1(%arg0: i32) -> (i32, i32, i32) {
    %c0_i32 = arith.constant 0 : i32
    %c0_i32_0 = arith.constant 0 : i32
    %c0_i32_1 = arith.constant 0 : i32
    return %arg0, %c0_i32, %c0_i32_0 : i32, i32, i32
  }
}

module attributes {stable_mosaic.version = 14 : i64} {
  func.func @_tc_body(%arg0: i32, %arg1: memref<32x128x128xbf16, #tpu.memory_space<vmem>>, %arg2: memref<32x128x128xf32, #tpu.memory_space<vmem>>, %arg3: memref<32x128xf32, #tpu.memory_space<vmem>>, %arg4: memref<1x1x1xf32, #tpu.memory_space<smem>>) attributes {dimension_semantics = [#tpu.dimension_semantics<parallel>], iteration_bounds = array<i64: 4>, scalar_prefetch = 0 : i64, scratch_operands = 0 : i64, tpu.core_type = #tpu.core_type<tc>, window_params = [{transform_indices = @transform_0, window_bounds = array<i64: 32, 128, 128>}, {transform_indices = @transform_1, window_bounds = array<i64: 32, 128, 128>}, {transform_indices = @transform_2, window_bounds = array<i64: 32, 128>}, {transform_indices = @transform_3, window_bounds = array<i64: 1, 1, 1>}]} {
    %get3A = arith.constant 0 : index
    %get3A_0 = arith.constant 0 : index
    %get3A_1 = arith.constant 0 : index
    %get3A_2 = vector.load %arg1[%get3A, %get3A_0, %get3A_1] : memref<32x128x128xbf16, #tpu.memory_space<vmem>>, vector<32x128x128xbf16>
    %convert_element_type3A = arith.extf %get3A_2 : vector<32x128x128xbf16> to vector<32x128x128xf32>
    %get3A_3 = arith.constant 0 : index
    %get3A_4 = arith.constant 0 : index
    %get3A_5 = arith.constant 0 : index
    %get3A_6 = vector.load %arg2[%get3A_3, %get3A_4, %get3A_5] : memref<32x128x128xf32, #tpu.memory_space<vmem>>, vector<32x128x128xf32>
    %sub3A = arith.subf %convert_element_type3A, %get3A_6 : vector<32x128x128xf32>
    %get3A_7 = arith.constant 0 : index
    %get3A_8 = arith.constant 0 : index
    %get3A_9 = vector.load %arg3[%get3A_7, %get3A_8] : memref<32x128xf32, #tpu.memory_space<vmem>>, vector<32x128xf32>
    %broadcast_in_dim3A = vector.shape_cast %get3A_9 : vector<32x128xf32> to vector<32x128x1xf32>
    %mul3A = vector.broadcast %broadcast_in_dim3A : vector<32x128x1xf32> to vector<32x128x128xf32>
    %mul3A_10 = arith.mulf %mul3A, %sub3A : vector<32x128x128xf32>
    %mul3A_11 = arith.mulf %mul3A_10, %sub3A : vector<32x128x128xf32>
    %reduce_sum3A = vector.shape_cast %mul3A_11 : vector<32x128x128xf32> to vector<1x32x128x128xf32>
    %reduce_sum3A_12 = arith.constant dense<0.000000e+00> : vector<1xf32>
    %reduce_sum3A_13 = vector.multi_reduction <add>, %reduce_sum3A, %reduce_sum3A_12 [1, 2, 3] : vector<1x32x128x128xf32> to vector<1xf32>
    %reduce_sum3A_14 = vector.shape_cast %reduce_sum3A_13 : vector<1xf32> to vector<1x1x1x1xf32>
    %reduce_sum3A_15 = vector.extract %reduce_sum3A_14[0, 0, 0, 0] : f32 from vector<1x1x1x1xf32>
    %swap3A = arith.constant 0 : index
    %swap3A_16 = arith.constant 0 : index
    %swap3A_17 = arith.constant 0 : index
    %swap3A_18 = memref.load %arg4[%swap3A, %swap3A_16, %swap3A_17] : memref<1x1x1xf32, #tpu.memory_space<smem>>
    memref.store %reduce_sum3A_15, %arg4[%swap3A, %swap3A_16, %swap3A_17] : memref<1x1x1xf32, #tpu.memory_space<smem>>
    return
  }
  func.func @transform_0(%arg0: i32) -> (i32, i32, i32) {
    %c0_i32 = arith.constant 0 : i32
    %c0_i32_0 = arith.constant 0 : i32
    %c0_i32_1 = arith.constant 0 : i32
    return %arg0, %c0_i32, %c0_i32_0 : i32, i32, i32
  }
  func.func @transform_1(%arg0: i32) -> (i32, i32, i32) {
    %c0_i32 = arith.constant 0 : i32
    %c0_i32_0 = arith.constant 0 : i32
    %c0_i32_1 = arith.constant 0 : i32
    return %arg0, %c0_i32, %c0_i32_0 : i32, i32, i32
  }
  func.func @transform_2(%arg0: i32) -> (i32, i32) {
    %c0_i32 = arith.constant 0 : i32
    %c0_i32_0 = arith.constant 0 : i32
    return %arg0, %c0_i32 : i32, i32
  }
  func.func @transform_3(%arg0: i32) -> (i32, i32, i32) {
    %c0_i32 = arith.constant 0 : i32
    %c0_i32_0 = arith.constant 0 : i32
    %c0_i32_1 = arith.constant 0 : i32
    return %arg0, %c0_i32, %c0_i32_0 : i32, i32, i32
  }
}

</mosaic_0001>

<sc_bundles>
// kernel: kernel.5.cloned.1.call-start
scs
__scs_entry_jumppad:
0x0: {  	(pc) =	sbr.rel $0x88, $3  }
0x1: {  	(tag) =	ssettag $0x0;
	lr =	simm.s32 $0x1  }
0x2: {  	[smem:$0x3F9E] =	sst lr;
	_ =	strace $0xD0000000  }
0x3: {  	_ = 	snop  }
0x4: {  	_ = 	snop  }
0x5: {  	_ = 	snop  }
0x6: {  	_ = 	snop  }
0x7: {  	_ = 	snop  }
__scs_overlays_trampoline_lowered:
0x8: {  	[smem:$0x3FAD] =	sst s0  }
0x9: {  	[smem:$0x3FAE] =	sst s1  }
0xa: {  	[smem:$0x3FAF] =	sst s2  }
0xb: {  	[smem:$0x3FB0] =	sst s3  }
0xc: {  	[smem:$0x3FB1] =	sst s4  }
0xd: {  	[smem:$0x3FB2] =	sst s5  }
0xe: {  	[smem:$0x3FB3] =	sst s6  }
0xf: {  	[smem:$0x3FB4] =	sst s7  }
0x10: {  	[smem:$0x3FB5] =	sst s8  }
0x11: {  	[smem:$0x3FB6] =	sst s9;
	s0 =	simm.s32 @!p0 $0x0  }
0x12: {  	s1 =	sld [smem:$0x3F9C];
	s0 =	simm.s32 @p0 $0x1  }
0x13: {  	[smem:$0x3FB7] =	sst s0;
	s0 =	simm.s32 @!p1 $0x0  }
0x14: {  	s2 =	sld [smem:$0x3F9B];
	s0 =	simm.s32 @p1 $0x1  }
0x15: {  	[smem:$0x3FB8] =	sst s0;
	s0 =	simm.s32 @!p2 $0x0  }
0x16: {  	s3 =	sld [smem:$0x3FDB];
	s0 =	simm.s32 @p2 $0x1  }
0x17: {  	s4 =	simm.s32 $0x1BF5;
	[smem:$0x3FBA] =	sst s0  }
0x18: {  	s0 =	sld [smem:$0x3F9D];
	_ =	swait.ge [sflag:s4], $0x0  }
0x19: {  	s7 =	sld [smem:$0x3F9E]  }
0x1a: {  	s8 =	sadd.s32 $0xFFFFE003, lr  }
0x1b: {  	s9 =	sadd.s32 $0xFFFFFEF7, lr;
	s5 =	simm.s32 $0xFFFFFFFF;
	p2 =	slt.u32 s8, $0xFFFFF086  }
0x1c: {  	p1 =	slt.u32 s9, $0xF7A;
	s5 =	simm.s32 @!p2 $0x0  }
0x1d: {  	s5 =	simm.s32 @p1 $0x1;
	p0 =	seq.s32 s7, s2  }
0x1e: {  	s7 =	smul.u32 @!p0 $0xF7A, s2;
	p2 =	seq.s32 @!p0 s5, $0x0  }
0x1f: {  	s9 =	smul.u32 $0xF7A, s1;
	s8 =	simm.s32 @!p0 $0x1BF5;
	p2 =	por !p2, p0  }
0x20: {  	[sflag:s8] =	ssyncset.s32 @!p0 $0xFFFFF086;
	s6 =	sadd.s32 @!p0 s3, s7;
	s7 =	simm.s32 @!p0 $0x108  }
0x21: {  	s3 =	sadd.s32 s3, s9;
	s6 =	sadd.s32 @!p0 $0x88, s6;
	s7 =	simm.s32 @p2 $0x1082  }
0x22: {  	[simem:s7], [sflag:s8] =	dma.local @!p0 [hbm:s6], $0xF7A  }
0x23: {  	s9 =	sor.u32 $0xD0000000, s2;
	s6 =	simm.s32 $0x108;
	_ =	swait.ge @!p0 [sflag:s8], $0x0  }
0x24: {  	s3 =	sadd.s32 $0x88, s3;
	s6 =	simm.s32 @!p1 $0x1082;
	[sflag:s4] =	ssyncset.s32 $0xFFFFF086  }
0x25: {  	[simem:s6], [sflag:s4] =	dma.local [hbm:s3], $0xF7A  }
0x26: {  	[smem:$0x3F9E] =	sst s1;
	(tag) =	ssettag s2;
	_ =	strace s9  }
0x27: {  	s1 =	sld [smem:$0x3FAE]  }
0x28: {  	s2 =	sld [smem:$0x3FAF]  }
0x29: {  	s4 =	sld [smem:$0x3FB1]  }
0x2a: {  	p0 =	seq.s32 s5, $0x0;
	s5 =	sld [smem:$0x3FB2]  }
0x2b: {  	s6 =	sld [smem:$0x3FB3]  }
0x2c: {  	s7 =	sld [smem:$0x3FB4]  }
0x2d: {  	s3 =	simm.s32 $0x108;
	s8 =	sld [smem:$0x3FB5]  }
0x2e: {  	s3 =	simm.s32 @!p0 $0x1082;
	s9 =	sld [smem:$0x3FB6]  }
0x2f: {  	lr =	sadd.s32 s0, s3;
	s0 =	sld [smem:$0x3FAD]  }
0x30: {  	s3 =	sld [smem:$0x3FB0]  }
0x31: {  	[smem:$0x3FB9] =	sst s10  }
0x32: {  	s10 =	sld [smem:$0x3FB7];
	_ =	sdelay $0x3  }
0x33: {  	p0 =	seq.s32 s10, $0x1;
	s10 =	sld [smem:$0x3FB9];
	_ =	sdelay $0x3  }
0x34: {  	[smem:$0x3FB9] =	sst s10  }
0x35: {  	s10 =	sld [smem:$0x3FB8];
	_ =	sdelay $0x3  }
0x36: {  	p1 =	seq.s32 s10, $0x1;
	s10 =	sld [smem:$0x3FB9];
	_ =	sdelay $0x3  }
0x37: {  	[smem:$0x3FB9] =	sst s10  }
0x38: {  	s10 =	sld [smem:$0x3FBA]  }
0x39: {  	_ = 	snop;
	(pc) =	sbr.ind lr, $3  }
0x3a: {  	_ = 	snop  }
0x3b: {  	_ = 	snop  }
0x3c: {  	p2 =	seq.s32 s10, $0x1;
	s10 =	sld [smem:$0x3FB9]  }
0x3d: {  	_ =	shalt  }
0x3e: {  	_ =	shalt  }
0x3f: {  	_ =	shalt  }
0x40: {  	_ =	shalt  }
0x41: {  	_ =	shalt  }
0x42: {  	_ =	shalt  }
0x43: {  	_ =	shalt  }
0x44: {  	_ =	shalt  }
0x45: {  	_ =	shalt  }
0x46: {  	_ =	shalt  }
0x47: {  	_ =	shalt  }
0x48: {  	_ =	shalt  }
0x49: {  	_ =	shalt  }
0x4a: {  	_ =	shalt  }
0x4b: {  	_ =	shalt  }
0x4c: {  	_ =	shalt  }
0x4d: {  	_ =	shalt  }
0x4e: {  	_ =	shalt  }
0x4f: {  	_ =	shalt  }
0x50: {  	_ =	shalt  }
0x51: {  	_ =	shalt  }
0x52: {  	_ =	shalt  }
0x53: {  	_ =	shalt  }
0x54: {  	_ =	shalt  }
0x55: {  	_ =	shalt  }
0x56: {  	_ =	shalt  }
0x57: {  	_ =	shalt  }
0x58: {  	_ =	shalt  }
0x59: {  	_ =	shalt  }
0x5a: {  	_ =	shalt  }
0x5b: {  	_ =	shalt  }
0x5c: {  	_ =	shalt  }
0x5d: {  	_ =	shalt  }
0x5e: {  	_ =	shalt  }
0x5f: {  	_ =	shalt  }
0x60: {  	_ =	shalt  }
0x61: {  	_ =	shalt  }
0x62: {  	_ =	shalt  }
0x63: {  	_ =	shalt  }
0x64: {  	_ =	shalt  }
0x65: {  	_ =	shalt  }
0x66: {  	_ =	shalt  }
0x67: {  	_ =	shalt  }
0x68: {  	_ =	shalt  }
0x69: {  	_ =	shalt  }
0x6a: {  	_ =	shalt  }
0x6b: {  	_ =	shalt  }
0x6c: {  	_ =	shalt  }
0x6d: {  	_ =	shalt  }
0x6e: {  	_ =	shalt  }
0x6f: {  	_ =	shalt  }
0x70: {  	_ =	shalt  }
0x71: {  	_ =	shalt  }
0x72: {  	_ =	shalt  }
0x73: {  	_ =	shalt  }
0x74: {  	_ =	shalt  }
0x75: {  	_ =	shalt  }
0x76: {  	_ =	shalt  }
0x77: {  	_ =	shalt  }
0x78: {  	_ =	shalt  }
0x79: {  	_ =	shalt  }
0x7a: {  	_ =	shalt  }
0x7b: {  	_ =	shalt  }
0x7c: {  	_ =	shalt  }
0x7d: {  	_ =	shalt  }
0x7e: {  	_ =	shalt  }
0x7f: {  	_ =	shalt  }
0x80: {  	_ =	shalt  }
0x81: {  	_ =	shalt  }
0x82: {  	_ =	shalt  }
0x83: {  	_ =	shalt  }
0x84: {  	_ =	shalt  }
0x85: {  	_ =	shalt  }
0x86: {  	_ =	shalt  }
0x87: {  	_ =	shalt  }
.Lfunc_end0:
.L_simem_size_0:
called_computation_lowered:
.L_overlay_start_0:
0x88: {  	s2 =	sld [smem:$0x3FD9]  }
0x89: {  	s3 =	sld [smem:$0x3FFE];
	_ =	sdelay $0x1  }
0x8a: {  	s1 =	srdreg.scid  }
0x8b: {  	s0 =	sand.u32 $0x1, s1  }
0x8c: {  	s17 =	sshll.u32 s0, $0xA;
	s2 =	sadd.s32 s3, s2  }
0x8d: {  	s2 =	sadd.s32 s2, s17  }
0x8e: {  	[smem:$0x3FC5] =	sst s2  }
0x8f: {  	_ = 	snop  }
0x90: {  	s2 =	sld [smem:$0x3FC8]  }
0x91: {  	s18 =	sld [smem:$0x3FC7];
	(tm) =	ssettm $0x1  }
0x92: {  	s4 =	sld [smem:$0x3FFB];
	_ =	sdelay $0x3  }
0x93: {  	_ =	strace s4  }
0x94: {  	s4 =	sld [smem:$0x3FFC];
	_ =	sdelay $0x3  }
0x95: {  	_ =	strace s4  }
0x96: {  	s4 =	sld [smem:$0x3FFD];
	_ =	sdelay $0x3  }
0x97: {  	_ =	strace s4  }
0x98: {  	_ =	strace $0x8FFFFFFF  }
0x99: {  	s19 =	sld [smem:$0x3FDB];
	_ =	sdelay $0x1  }
0x9a: {  	s5 =	simm.s32 $_scs_section_size  }
0x9b: {  	s6 =	simm.s32 $_size__tile_overlayer_lowered;
	s7 =	simm.s32 $_tile_overlayer_lowered  }
0x9c: {  	s22 =	simm.s32 $0x1BFF;
	s21 =	sshll.u32 s7, $0x1;
	s4 =	sadd.s32 s5, s19  }
0x9d: {  	s8 =	simm.s32 $0x0;
	s20 =	sshll.u32 s6, $0x1;
	s6 =	sadd.s32 s21, s4  }
0x9e: {  	[timem:s8], [sflag:s22] =	dma.local [hbm:s6], s20  }
0x9f: {  	_ =	swait.ge [sflag:s22], s20  }
0xa0: {  	s5 =	ssub.s32 $0x0, s20;
	[sflag:s22] =	ssyncset.done $0x0  }
0xa1: {  	[sflag:s22] =	ssyncadd.s32 s5;
	_ =	sdelay $0x1  }
0xa2: {  	s23 =	simm.s32 $0x1B8B  }
0xa3: {  	_ =	swait.ge [sflag:s23], $0x1  }
0xa4: {  	[sflag:s23] =	ssyncset.done $0x0  }
0xa5: {  	s25 =	simm.s32 $0x1B8E;
	s24 =	sld [smem:$0x3FFE];
	[sflag:s23] =	ssyncadd.s32 $0xFFFFFFFF  }
0xa6: {  	s26 =	simm.s32 $execute0_lowered;
	[smem:$0x3FD2] =	sst s25  }
0xa7: {  	s6 =	sshll.u32 s26, $0x1;
	_ =	strace $0x80000046;
	[dreg:$0x1] =	wrdreg $0xFFFFFFFF  }
0xa8: {  	s28 =	simm.s32 $_size_execute0_lowered;
	s4 =	sadd.s32 s4, s6;
	[dreg:$0x0] =	wrdreg $0x0  }
0xa9: {  	s6 =	sshll.u32 s28, $0x1;
	[dreg:$0x2] =	wrdreg s4  }
0xaa: {  	[dreg:$0x3] =	wrdreg s6  }
0xab: {  	[dreg:$0x4] =	wrdreg $0xC0  }
0xac: {  	_ =	task [dreg:s8], $0x5FFFF  }
0xad: {  	[dreg:$0x1] =	wrdreg $0xFFFFFFFF  }
0xae: {  	[dreg:$0x0] =	wrdreg $0x60  }
0xaf: {  	[dreg:$0x2] =	wrdreg s18  }
0xb0: {  	[dreg:$0x3] =	wrdreg s2  }
0xb1: {  	[dreg:$0x4] =	wrdreg s24  }
0xb2: {  	[dreg:$0x5] =	wrdreg $0x18C000  }
0xb3: {  	[dreg:$0x6] =	wrdreg $0x9  }
0xb4: {  	_ =	task.clear_ibuf [dreg:s8], $0x7FFFF;
	_ =	strace $0x90000046  }
0xb5: {  	s29 =	simm.s32 $0x9;
	_ =	strace $0x80000048  }
0xb6: {  	_ =	swait.ge [sflag:s29], $0x1  }
0xb7: {  	[sflag:s29] =	ssyncadd.s32 $0xFFFFFFFF  }
0xb8: {  	_ =	strace $0x90000048  }
0xb9: {  	_ =	sfence  }
0xba: {  	s30 =	sld [smem:$0x0];
	_ =	sdelay $0x2  }
0xbb: {  	s31 =	sshll.u32 s1, $0xD;
	s1 =	sshrl.u32 s1, $0x2  }
0xbc: {  	s3 =	sand.u32 $0x4000, s31;
	s1 =	sadd.s32 s1, s30  }
0xbd: {  	s0 =	sor.u32 s3, s0;
	s1 =	sshll.u32 s1, $0x11  }
0xbe: {  	s0 =	sor.u32 s1, s0  }
0xbf: {  	s0 =	sadd.s32 $0x8F2B, s0  }
0xc0: {  	[sflag:s0] =	ssyncadd.remote.s32 $0x1  }
0xc1: {  	_ =	sfence.sel $0xFFFF  }
0xc2: {  	[dreg:$0x0] =	wrdreg $0xFFFFFFFF;
	(pc) =	sbr.abs _section_cstart, $3  }
0xc3: {  	[dreg:$0x1] =	wrdreg $0xFFFFFFFF  }
0xc4: {  	_ =	task.clear_ibuf [dreg:s8], $0x2FFFF;
	_ =	strace $0x9FFFFFFF  }
0xc5: {  	(tm) =	ssettm $0x7FFFFFFF  }
tec
execute0_lowered:
.L_overlay_start_1:
0x0: {  	(tag) =	ssettag $0x1  }
0x1: {  	s1 =	rddreg [dreg:$0x0]  }
0x2: {  	s0 =	rddreg [dreg:$0x1]  }
0x3: {  	s2 =	rddreg [dreg:$0x2]  }
0x4: {  	s3 =	srdreg.scid;
	s7 =	stileid.u32  }
0x5: {  	s11 =	rddreg [dreg:$0x3];
	s4 =	simm.s32 $0x0;
	s14 =	simm.s32 $0x3  }
0x6: {  	s15 =	simm.s32 $0x80;
	s16 =	simm.s32 $0x8A00;
	s17 =	simm.s32 $0xCA00  }
0x7: {  	s19 =	simm.s32 $0x10A00;
	s20 =	simm.s32 $0x180;
	s21 =	simm.s32 $0x14A00  }
0x8: {  	s22 =	simm.s32 $0x200;
	s28 =	simm.s32 $0x18A00;
	s29 =	simm.s32 $0x2  }
0x9: {  	s30 =	simm.s32 $0x0;
	s3 =	sand.u32 $0x1, s3;
	s5 =	sshll.u32 s7, $0x1  }
0xa: {  	[smem:$0x7FF] =	sst s4;
	s9 =	sshll.u32 s7, $0x7;
	s25 =	sshll.u32 s7, $0xA  }
0xb: {  	s5 =	sor.u32 s3, s5;
	_ =	strace $0x80000047;
	s23 =	ssub.s32 $0x2, s3  }
0xc: {  	s3 =	sshll.u32 s3, $0x6;
	s26 =	sand.u32 $0x2000, s25;
	s31 =	sand.u32 $0x380, s9  }
0xd: {  	s25 =	simm.s32 $0x4A00;
	s6 =	sshll.u32 s5, $0xD;
	s5 =	sshll.u32 s5, $0x6  }
0xe: {  	s24 =	sshrl.u32 s23, $0x1;
	s3 =	sadd.s32 s0, s3;
	s10 =	sadd.s32 s6, s2  }
0xf: {  	s2 =	sadd.s32 s5, s2;
	s13 =	ssub.s32 s23, s24;
	s5 =	sadd.s32 s9, s3  }
0x10: {  	s6 =	sadd.s32 s0, s9;
	s0 =	sadd.s32 s26, s11;
	s23 =	simm.s32 $0x1  }
0x11: {  	s24 =	simm.s32 $0x400;
	s26 =	simm.s32 $0x4600;
	s7 =	sadd.s32 $0xA00, s10  }
0x12: {  	v1 =	vlaneseq.u32;
	s8 =	sadd.s32 $0x1200, s10;
	s9 =	sadd.s32 $0x1A00, s10;
	s10 =	sadd.s32 $0x2200, s10  }
0x13: {  	v0 =	vimm.f32 $0.0e+00;
	v2 =	vimm.f32 $1.000000000e+00;
	v1 =	vmul.u32 $0x400, v1;
	s11 =	sadd.s32 s31, s0;
	s12 =	sadd.s32 $0x40A00, s2;
	s13 =	smax.u32 s13, $0x1  }
.LBB2_1:
0x14: {  	[tilespmem:s4], [sflag:$0x3] =	stream.linear.gather [hbm4b:s5+s4], $0x200, $0x38;
	[tilespmem:$0x19000] =	vst v63  }
0x15: {  	_ =	swait.ge [sflag:s14], $0x200  }
0x16: {  	[sflag:s14] =	ssyncset.done $0x0  }
0x17: {  	[sflag:s14] =	ssyncadd.s32 $0xFFFFFE00  }
0x18: {  	[tilespmem:s16], [sflag:$0x1] =	stream.indirect.gather [hbm4b:s1+s15], $0x80, s4, s15, $0xb8;
	[tilespmem:$0x19000] =	vst v63  }
0x19: {  	_ = 	snop  }
0x1a: {  	[tilespmem:s17], [sflag:$0x1] =	stream.indirect.gather [hbm4b:s1+s15], $0x80, s15, s15, $0xb8;
	[tilespmem:$0x19000] =	vst v63  }
0x1b: {  	s0 =	simm.s32 $0x100  }
0x1c: {  	[tilespmem:s19], [sflag:$0x1] =	stream.indirect.gather [hbm4b:s1+s15], $0x80, s0, s15, $0xb8;
	[tilespmem:$0x19000] =	vst v63  }
0x1d: {  	_ = 	snop  }
0x1e: {  	[tilespmem:s21], [sflag:$0x1] =	stream.indirect.gather [hbm4b:s1+s15], $0x80, s20, s15, $0xb8;
	[tilespmem:$0x19000] =	vst v63  }
0x1f: {  	_ = 	snop  }
0x20: {  	[tilespmem:s22], [sflag:$0x3] =	stream.linear.gather [hbm4b:s6+s4], $0x400, $0x38;
	[tilespmem:$0x19000] =	vst v63  }
0x21: {  	_ =	swait.ge [sflag:s14], $0x400  }
0x22: {  	[sflag:s14] =	ssyncset.done $0x0  }
0x23: {  	s2 =	simm.s32 $0x0;
	s0 =	simm.s32 $0x40;
	[sflag:s14] =	ssyncadd.s32 $0xFFFFFC00  }
.LBB2_2:
0x24: {  	p0 =	sne.s32 s0, $0xFFC0;
	[tilespmem:s2+$0x600] =	vst v0;
	s2 =	smov.u32 s0;
	s0 =	sadd.s32 $0x40, s0  }
.Ltmp0:
0x25: {  	(pc) =	sbr.rel @p0 .LBB2_2-.Ltmp0, $2  }
0x26: {  	_ =	sdelay $0x2  }
0x27: {  	s2 =	sshra.s32 s2, $0x2  }
0x28: {  	[tilespmem:s2+$0x600] =	vst v0  }
0x29: {  	v3 =	vld [tilespmem:$0x200];
	_ =	sdelay $0x4  }
0x2a: {  	v3 =	vadd.s32 v1, v3;
	_ =	sdelay $0x3  }
0x2b: {  	s31 =	simm.s32 $0x600  }
0x2c: {  	[tilespmem:v3+s31+$0x0] =	vst.idx.add.f32.msk $0xffff, v2  }
0x2d: {  	v3 =	vld [tilespmem:$0x210];
	_ =	sdelay $0x4  }
0x2e: {  	v3 =	vadd.s32 v1, v3;
	_ =	sdelay $0x4  }
0x2f: {  	[tilespmem:v3+s31+$0x0] =	vst.idx.add.f32.msk $0xffff, v2  }
0x30: {  	v3 =	vld [tilespmem:$0x220];
	_ =	sdelay $0x4  }
0x31: {  	v3 =	vadd.s32 v1, v3;
	_ =	sdelay $0x4  }
0x32: {  	[tilespmem:v3+s31+$0x0] =	vst.idx.add.f32.msk $0xffff, v2  }
0x33: {  	v3 =	vld [tilespmem:$0x230];
	_ =	sdelay $0x4  }
0x34: {  	v3 =	vadd.s32 v1, v3;
	_ =	sdelay $0x4  }
0x35: {  	[tilespmem:v3+s31+$0x0] =	vst.idx.add.f32.msk $0xffff, v2  }
0x36: {  	v3 =	vld [tilespmem:$0x240];
	_ =	sdelay $0x4  }
0x37: {  	v3 =	vadd.s32 v1, v3;
	_ =	sdelay $0x4  }
0x38: {  	[tilespmem:v3+s31+$0x0] =	vst.idx.add.f32.msk $0xffff, v2  }
0x39: {  	v3 =	vld [tilespmem:$0x250];
	_ =	sdelay $0x4  }
0x3a: {  	v3 =	vadd.s32 v1, v3;
	_ =	sdelay $0x4  }
0x3b: {  	[tilespmem:v3+s31+$0x0] =	vst.idx.add.f32.msk $0xffff, v2  }
0x3c: {  	v3 =	vld [tilespmem:$0x260];
	_ =	sdelay $0x4  }
0x3d: {  	v3 =	vadd.s32 v1, v3;
	_ =	sdelay $0x4  }
0x3e: {  	[tilespmem:v3+s31+$0x0] =	vst.idx.add.f32.msk $0xffff, v2  }
0x3f: {  	v3 =	vld [tilespmem:$0x270];
	_ =	sdelay $0x4  }
0x40: {  	v3 =	vadd.s32 v1, v3;
	_ =	sdelay $0x4  }
0x41: {  	[tilespmem:v3+s31+$0x0] =	vst.idx.add.f32.msk $0xffff, v2  }
0x42: {  	v3 =	vld [tilespmem:$0x280];
	_ =	sdelay $0x4  }
0x43: {  	v3 =	vadd.s32 v1, v3;
	_ =	sdelay $0x4  }
0x44: {  	[tilespmem:v3+s31+$0x0] =	vst.idx.add.f32.msk $0xffff, v2  }
0x45: {  	v3 =	vld [tilespmem:$0x290];
	_ =	sdelay $0x4  }
0x46: {  	v3 =	vadd.s32 v1, v3;
	_ =	sdelay $0x4  }
0x47: {  	[tilespmem:v3+s31+$0x0] =	vst.idx.add.f32.msk $0xffff, v2  }
0x48: {  	v3 =	vld [tilespmem:$0x2A0];
	_ =	sdelay $0x4  }
0x49: {  	v3 =	vadd.s32 v1, v3;
	_ =	sdelay $0x4  }
0x4a: {  	[tilespmem:v3+s31+$0x0] =	vst.idx.add.f32.msk $0xffff, v2  }
0x4b: {  	v3 =	vld [tilespmem:$0x2B0];
	_ =	sdelay $0x4  }
0x4c: {  	v3 =	vadd.s32 v1, v3;
	_ =	sdelay $0x4  }
0x4d: {  	[tilespmem:v3+s31+$0x0] =	vst.idx.add.f32.msk $0xffff, v2  }
0x4e: {  	v3 =	vld [tilespmem:$0x2C0];
	_ =	sdelay $0x4  }
0x4f: {  	v3 =	vadd.s32 v1, v3;
	_ =	sdelay $0x4  }
0x50: {  	[tilespmem:v3+s31+$0x0] =	vst.idx.add.f32.msk $0xffff, v2  }
0x51: {  	v3 =	vld [tilespmem:$0x2D0];
	_ =	sdelay $0x4  }
0x52: {  	v3 =	vadd.s32 v1, v3;
	_ =	sdelay $0x4  }
0x53: {  	[tilespmem:v3+s31+$0x0] =	vst.idx.add.f32.msk $0xffff, v2  }
0x54: {  	v3 =	vld [tilespmem:$0x2E0];
	_ =	sdelay $0x4  }
0x55: {  	v3 =	vadd.s32 v1, v3;
	_ =	sdelay $0x4  }
0x56: {  	[tilespmem:v3+s31+$0x0] =	vst.idx.add.f32.msk $0xffff, v2  }
0x57: {  	v3 =	vld [tilespmem:$0x2F0];
	_ =	sdelay $0x4  }
0x58: {  	v3 =	vadd.s32 v1, v3;
	_ =	sdelay $0x4  }
0x59: {  	[tilespmem:v3+s31+$0x0] =	vst.idx.add.f32.msk $0xffff, v2  }
0x5a: {  	v3 =	vld [tilespmem:$0x300];
	_ =	sdelay $0x4  }
0x5b: {  	v3 =	vadd.s32 v1, v3;
	_ =	sdelay $0x4  }
0x5c: {  	[tilespmem:v3+s31+$0x0] =	vst.idx.add.f32.msk $0xffff, v2  }
0x5d: {  	v3 =	vld [tilespmem:$0x310];
	_ =	sdelay $0x4  }
0x5e: {  	v3 =	vadd.s32 v1, v3;
	_ =	sdelay $0x4  }
0x5f: {  	[tilespmem:v3+s31+$0x0] =	vst.idx.add.f32.msk $0xffff, v2  }
0x60: {  	v3 =	vld [tilespmem:$0x320];
	_ =	sdelay $0x4  }
0x61: {  	v3 =	vadd.s32 v1, v3;
	_ =	sdelay $0x4  }
0x62: {  	[tilespmem:v3+s31+$0x0] =	vst.idx.add.f32.msk $0xffff, v2  }
0x63: {  	v3 =	vld [tilespmem:$0x330];
	_ =	sdelay $0x4  }
0x64: {  	v3 =	vadd.s32 v1, v3;
	_ =	sdelay $0x4  }
0x65: {  	[tilespmem:v3+s31+$0x0] =	vst.idx.add.f32.msk $0xffff, v2  }
0x66: {  	v3 =	vld [tilespmem:$0x340];
	_ =	sdelay $0x4  }
0x67: {  	v3 =	vadd.s32 v1, v3;
	_ =	sdelay $0x4  }
0x68: {  	[tilespmem:v3+s31+$0x0] =	vst.idx.add.f32.msk $0xffff, v2  }
0x69: {  	v3 =	vld [tilespmem:$0x350];
	_ =	sdelay $0x4  }
0x6a: {  	v3 =	vadd.s32 v1, v3;
	_ =	sdelay $0x4  }
0x6b: {  	[tilespmem:v3+s31+$0x0] =	vst.idx.add.f32.msk $0xffff, v2  }
0x6c: {  	v3 =	vld [tilespmem:$0x360];
	_ =	sdelay $0x4  }
0x6d: {  	v3 =	vadd.s32 v1, v3;
	_ =	sdelay $0x4  }
0x6e: {  	[tilespmem:v3+s31+$0x0] =	vst.idx.add.f32.msk $0xffff, v2  }
0x6f: {  	v3 =	vld [tilespmem:$0x370];
	_ =	sdelay $0x4  }
0x70: {  	v3 =	vadd.s32 v1, v3;
	_ =	sdelay $0x4  }
0x71: {  	[tilespmem:v3+s31+$0x0] =	vst.idx.add.f32.msk $0xffff, v2  }
0x72: {  	v3 =	vld [tilespmem:$0x380];
	_ =	sdelay $0x4  }
0x73: {  	v3 =	vadd.s32 v1, v3;
	_ =	sdelay $0x4  }
0x74: {  	[tilespmem:v3+s31+$0x0] =	vst.idx.add.f32.msk $0xffff, v2  }
0x75: {  	v3 =	vld [tilespmem:$0x390];
	_ =	sdelay $0x4  }
0x76: {  	v3 =	vadd.s32 v1, v3;
	_ =	sdelay $0x4  }
0x77: {  	[tilespmem:v3+s31+$0x0] =	vst.idx.add.f32.msk $0xffff, v2  }
0x78: {  	v3 =	vld [tilespmem:$0x3A0];
	_ =	sdelay $0x4  }
0x79: {  	v3 =	vadd.s32 v1, v3;
	_ =	sdelay $0x4  }
0x7a: {  	[tilespmem:v3+s31+$0x0] =	vst.idx.add.f32.msk $0xffff, v2  }
0x7b: {  	v3 =	vld [tilespmem:$0x3B0];
	_ =	sdelay $0x4  }
0x7c: {  	v3 =	vadd.s32 v1, v3;
	_ =	sdelay $0x4  }
0x7d: {  	[tilespmem:v3+s31+$0x0] =	vst.idx.add.f32.msk $0xffff, v2  }
0x7e: {  	v3 =	vld [tilespmem:$0x3C0];
	_ =	sdelay $0x4  }
0x7f: {  	v3 =	vadd.s32 v1, v3;
	_ =	sdelay $0x4  }
0x80: {  	[tilespmem:v3+s31+$0x0] =	vst.idx.add.f32.msk $0xffff, v2  }
0x81: {  	v3 =	vld [tilespmem:$0x3D0];
	_ =	sdelay $0x4  }
0x82: {  	v3 =	vadd.s32 v1, v3;
	_ =	sdelay $0x4  }
0x83: {  	[tilespmem:v3+s31+$0x0] =	vst.idx.add.f32.msk $0xffff, v2  }
0x84: {  	v3 =	vld [tilespmem:$0x3E0];
	_ =	sdelay $0x4  }
0x85: {  	v3 =	vadd.s32 v1, v3;
	_ =	sdelay $0x4  }
0x86: {  	[tilespmem:v3+s31+$0x0] =	vst.idx.add.f32.msk $0xffff, v2  }
0x87: {  	v3 =	vld [tilespmem:$0x3F0];
	_ =	sdelay $0x4  }
0x88: {  	v3 =	vadd.s32 v1, v3;
	_ =	sdelay $0x4  }
0x89: {  	[tilespmem:v3+s31+$0x0] =	vst.idx.add.f32.msk $0xffff, v2  }
0x8a: {  	v3 =	vld [tilespmem:$0x400];
	_ =	sdelay $0x4  }
0x8b: {  	v3 =	vadd.s32 v1, v3;
	_ =	sdelay $0x4  }
0x8c: {  	[tilespmem:v3+s31+$0x0] =	vst.idx.add.f32.msk $0xffff, v2  }
0x8d: {  	v3 =	vld [tilespmem:$0x410];
	_ =	sdelay $0x4  }
0x8e: {  	v3 =	vadd.s32 v1, v3;
	_ =	sdelay $0x4  }
0x8f: {  	[tilespmem:v3+s31+$0x0] =	vst.idx.add.f32.msk $0xffff, v2  }
0x90: {  	v3 =	vld [tilespmem:$0x420];
	_ =	sdelay $0x4  }
0x91: {  	v3 =	vadd.s32 v1, v3;
	_ =	sdelay $0x4  }
0x92: {  	[tilespmem:v3+s31+$0x0] =	vst.idx.add.f32.msk $0xffff, v2  }
0x93: {  	v3 =	vld [tilespmem:$0x430];
	_ =	sdelay $0x4  }
0x94: {  	v3 =	vadd.s32 v1, v3;
	_ =	sdelay $0x4  }
0x95: {  	[tilespmem:v3+s31+$0x0] =	vst.idx.add.f32.msk $0xffff, v2  }
0x96: {  	v3 =	vld [tilespmem:$0x440];
	_ =	sdelay $0x4  }
0x97: {  	v3 =	vadd.s32 v1, v3;
	_ =	sdelay $0x4  }
0x98: {  	[tilespmem:v3+s31+$0x0] =	vst.idx.add.f32.msk $0xffff, v2  }
0x99: {  	v3 =	vld [tilespmem:$0x450];
	_ =	sdelay $0x4  }
0x9a: {  	v3 =	vadd.s32 v1, v3;
	_ =	sdelay $0x4  }
0x9b: {  	[tilespmem:v3+s31+$0x0] =	vst.idx.add.f32.msk $0xffff, v2  }
0x9c: {  	v3 =	vld [tilespmem:$0x460];
	_ =	sdelay $0x4  }
0x9d: {  	v3 =	vadd.s32 v1, v3;
	_ =	sdelay $0x4  }
0x9e: {  	[tilespmem:v3+s31+$0x0] =	vst.idx.add.f32.msk $0xffff, v2  }
0x9f: {  	v3 =	vld [tilespmem:$0x470];
	_ =	sdelay $0x4  }
0xa0: {  	v3 =	vadd.s32 v1, v3;
	_ =	sdelay $0x4  }
0xa1: {  	[tilespmem:v3+s31+$0x0] =	vst.idx.add.f32.msk $0xffff, v2  }
0xa2: {  	v3 =	vld [tilespmem:$0x480];
	_ =	sdelay $0x4  }
0xa3: {  	v3 =	vadd.s32 v1, v3;
	_ =	sdelay $0x4  }
0xa4: {  	[tilespmem:v3+s31+$0x0] =	vst.idx.add.f32.msk $0xffff, v2  }
0xa5: {  	v3 =	vld [tilespmem:$0x490];
	_ =	sdelay $0x4  }
0xa6: {  	v3 =	vadd.s32 v1, v3;
	_ =	sdelay $0x4  }
0xa7: {  	[tilespmem:v3+s31+$0x0] =	vst.idx.add.f32.msk $0xffff, v2  }
0xa8: {  	v3 =	vld [tilespmem:$0x4A0];
	_ =	sdelay $0x4  }
0xa9: {  	v3 =	vadd.s32 v1, v3;
	_ =	sdelay $0x4  }
0xaa: {  	[tilespmem:v3+s31+$0x0] =	vst.idx.add.f32.msk $0xffff, v2  }
0xab: {  	v3 =	vld [tilespmem:$0x4B0];
	_ =	sdelay $0x4  }
0xac: {  	v3 =	vadd.s32 v1, v3;
	_ =	sdelay $0x4  }
0xad: {  	[tilespmem:v3+s31+$0x0] =	vst.idx.add.f32.msk $0xffff, v2  }
0xae: {  	v3 =	vld [tilespmem:$0x4C0];
	_ =	sdelay $0x4  }
0xaf: {  	v3 =	vadd.s32 v1, v3;
	_ =	sdelay $0x4  }
0xb0: {  	[tilespmem:v3+s31+$0x0] =	vst.idx.add.f32.msk $0xffff, v2  }
0xb1: {  	v3 =	vld [tilespmem:$0x4D0];
	_ =	sdelay $0x4  }
0xb2: {  	v3 =	vadd.s32 v1, v3;
	_ =	sdelay $0x4  }
0xb3: {  	[tilespmem:v3+s31+$0x0] =	vst.idx.add.f32.msk $0xffff, v2  }
0xb4: {  	v3 =	vld [tilespmem:$0x4E0];
	_ =	sdelay $0x4  }
0xb5: {  	v3 =	vadd.s32 v1, v3;
	_ =	sdelay $0x4  }
0xb6: {  	[tilespmem:v3+s31+$0x0] =	vst.idx.add.f32.msk $0xffff, v2  }
0xb7: {  	v3 =	vld [tilespmem:$0x4F0];
	_ =	sdelay $0x4  }
0xb8: {  	v3 =	vadd.s32 v1, v3;
	_ =	sdelay $0x4  }
0xb9: {  	[tilespmem:v3+s31+$0x0] =	vst.idx.add.f32.msk $0xffff, v2  }
0xba: {  	v3 =	vld [tilespmem:$0x500];
	_ =	sdelay $0x4  }
0xbb: {  	v3 =	vadd.s32 v1, v3;
	_ =	sdelay $0x4  }
0xbc: {  	[tilespmem:v3+s31+$0x0] =	vst.idx.add.f32.msk $0xffff, v2  }
0xbd: {  	v3 =	vld [tilespmem:$0x510];
	_ =	sdelay $0x4  }
0xbe: {  	v3 =	vadd.s32 v1, v3;
	_ =	sdelay $0x4  }
0xbf: {  	[tilespmem:v3+s31+$0x0] =	vst.idx.add.f32.msk $0xffff, v2  }
0xc0: {  	v3 =	vld [tilespmem:$0x520];
	_ =	sdelay $0x4  }
0xc1: {  	v3 =	vadd.s32 v1, v3;
	_ =	sdelay $0x4  }
0xc2: {  	[tilespmem:v3+s31+$0x0] =	vst.idx.add.f32.msk $0xffff, v2  }
0xc3: {  	v3 =	vld [tilespmem:$0x530];
	_ =	sdelay $0x4  }
0xc4: {  	v3 =	vadd.s32 v1, v3;
	_ =	sdelay $0x4  }
0xc5: {  	[tilespmem:v3+s31+$0x0] =	vst.idx.add.f32.msk $0xffff, v2  }
0xc6: {  	v3 =	vld [tilespmem:$0x540];
	_ =	sdelay $0x4  }
0xc7: {  	v3 =	vadd.s32 v1, v3;
	_ =	sdelay $0x4  }
0xc8: {  	[tilespmem:v3+s31+$0x0] =	vst.idx.add.f32.msk $0xffff, v2  }
0xc9: {  	v3 =	vld [tilespmem:$0x550];
	_ =	sdelay $0x4  }
0xca: {  	v3 =	vadd.s32 v1, v3;
	_ =	sdelay $0x4  }
0xcb: {  	[tilespmem:v3+s31+$0x0] =	vst.idx.add.f32.msk $0xffff, v2  }
0xcc: {  	v3 =	vld [tilespmem:$0x560];
	_ =	sdelay $0x4  }
0xcd: {  	v3 =	vadd.s32 v1, v3;
	_ =	sdelay $0x4  }
0xce: {  	[tilespmem:v3+s31+$0x0] =	vst.idx.add.f32.msk $0xffff, v2  }
0xcf: {  	v3 =	vld [tilespmem:$0x570];
	_ =	sdelay $0x4  }
0xd0: {  	v3 =	vadd.s32 v1, v3;
	_ =	sdelay $0x4  }
0xd1: {  	[tilespmem:v3+s31+$0x0] =	vst.idx.add.f32.msk $0xffff, v2  }
0xd2: {  	v3 =	vld [tilespmem:$0x580];
	_ =	sdelay $0x4  }
0xd3: {  	v3 =	vadd.s32 v1, v3;
	_ =	sdelay $0x4  }
0xd4: {  	[tilespmem:v3+s31+$0x0] =	vst.idx.add.f32.msk $0xffff, v2  }
0xd5: {  	v3 =	vld [tilespmem:$0x590];
	_ =	sdelay $0x4  }
0xd6: {  	v3 =	vadd.s32 v1, v3;
	_ =	sdelay $0x4  }
0xd7: {  	[tilespmem:v3+s31+$0x0] =	vst.idx.add.f32.msk $0xffff, v2  }
0xd8: {  	v3 =	vld [tilespmem:$0x5A0];
	_ =	sdelay $0x4  }
0xd9: {  	v3 =	vadd.s32 v1, v3;
	_ =	sdelay $0x4  }
0xda: {  	[tilespmem:v3+s31+$0x0] =	vst.idx.add.f32.msk $0xffff, v2  }
0xdb: {  	v3 =	vld [tilespmem:$0x5B0];
	_ =	sdelay $0x4  }
0xdc: {  	v3 =	vadd.s32 v1, v3;
	_ =	sdelay $0x4  }
0xdd: {  	[tilespmem:v3+s31+$0x0] =	vst.idx.add.f32.msk $0xffff, v2  }
0xde: {  	v3 =	vld [tilespmem:$0x5C0];
	_ =	sdelay $0x4  }
0xdf: {  	v3 =	vadd.s32 v1, v3;
	_ =	sdelay $0x4  }
0xe0: {  	[tilespmem:v3+s31+$0x0] =	vst.idx.add.f32.msk $0xffff, v2  }
0xe1: {  	v3 =	vld [tilespmem:$0x5D0];
	_ =	sdelay $0x4  }
0xe2: {  	v3 =	vadd.s32 v1, v3;
	_ =	sdelay $0x4  }
0xe3: {  	[tilespmem:v3+s31+$0x0] =	vst.idx.add.f32.msk $0xffff, v2  }
0xe4: {  	v3 =	vld [tilespmem:$0x5E0];
	_ =	sdelay $0x4  }
0xe5: {  	v3 =	vadd.s32 v1, v3;
	_ =	sdelay $0x4  }
0xe6: {  	[tilespmem:v3+s31+$0x0] =	vst.idx.add.f32.msk $0xffff, v2  }
0xe7: {  	v3 =	vld [tilespmem:$0x5F0];
	_ =	sdelay $0x4  }
0xe8: {  	v3 =	vadd.s32 v1, v3;
	_ =	sdelay $0x3  }
0xe9: {  	s0 =	simm.s32 $0x0  }
0xea: {  	s0 =	sand.u32 $0x3F0, s0;
	[tilespmem:v3+s31+$0x0] =	vst.idx.add.f32.msk $0xffff, v2  }
0xeb: {  	v3 =	vld [tilespmem:s0+$0xA00]  }
0xec: {  	v4 =	vld [tilespmem:s31+$0x0];
	_ =	sdelay $0x1  }
0xed: {  	v5 =	vld [tilespmem:s0+$0xE00];
	_ =	sdelay $0x1  }
0xee: {  	v6 =	vld [tilespmem:s0+$0x1200]  }
0xef: {  	v3 =	vadd.f32 v3, v4  }
0xf0: {  	v4 =	vld [tilespmem:s0+$0x1600]  }
0xf1: {  	v3 =	vadd.f32 v5, v3  }
0xf2: {  	v5 =	vld [tilespmem:s0+$0x1A00]  }
0xf3: {  	v3 =	vadd.f32 v6, v3  }
0xf4: {  	v60 =	vld [tilespmem:s0+$0x1E00]  }
0xf5: {  	v3 =	vadd.f32 v4, v3  }
0xf6: {  	v4 =	vld [tilespmem:s0+$0x2200]  }
0xf7: {  	v3 =	vadd.f32 v5, v3  }
0xf8: {  	v5 =	vld [tilespmem:s0+$0x2600]  }
0xf9: {  	v3 =	vadd.f32 v60, v3  }
0xfa: {  	v61 =	vld [tilespmem:s0+$0x2A00]  }
0xfb: {  	v3 =	vadd.f32 v4, v3  }
0xfc: {  	v4 =	vld [tilespmem:s0+$0x2E00]  }
0xfd: {  	v3 =	vadd.f32 v5, v3  }
0xfe: {  	v5 =	vld [tilespmem:s0+$0x3200]  }
0xff: {  	v3 =	vadd.f32 v61, v3  }
0x100: {  	v62 =	vld [tilespmem:s0+$0x3600]  }
0x101: {  	v3 =	vadd.f32 v4, v3  }
0x102: {  	v4 =	vld [tilespmem:s0+$0x3A00]  }
0x103: {  	v3 =	vadd.f32 v5, v3  }
0x104: {  	v5 =	vld [tilespmem:s0+$0x3E00]  }
0x105: {  	v3 =	vadd.f32 v62, v3  }
0x106: {  	v63 =	vld [tilespmem:s0+$0x4200]  }
0x107: {  	v3 =	vadd.f32 v4, v3;
	_ =	sdelay $0x1  }
0x108: {  	v3 =	vadd.f32 v5, v3;
	_ =	sdelay $0x1  }
0x109: {  	v3 =	vadd.f32 v63, v3  }
0x10a: {  	s18 =	simm.s32 $0x10;
	s31 =	simm.s32 $0x4600  }
0x10b: {  	s2 =	sand.u32 $0x3F0, s18;
	[tilespmem:s31+$0x0] =	vst v3  }
0x10c: {  	s3 =	simm.s32 $0x20;
	s0 =	simm.s32 $0x610;
	v3 =	vld [tilespmem:s2+$0xA00]  }
.LBB2_4:
0x10d: {  	p0 =	sne.s32 s3, $0x3F0;
	v4 =	vld [tilespmem:s0+$0x0];
	_ =	sdelay $0x1  }
0x10e: {  	v5 =	vld [tilespmem:s2+$0xE00];
	_ =	sdelay $0x1  }
0x10f: {  	v6 =	vld [tilespmem:s2+$0x1200]  }
0x110: {  	v3 =	vadd.f32 v3, v4  }
0x111: {  	v4 =	vld [tilespmem:s2+$0x1600]  }
0x112: {  	v3 =	vadd.f32 v5, v3  }
0x113: {  	v5 =	vld [tilespmem:s2+$0x1A00]  }
0x114: {  	v3 =	vadd.f32 v6, v3  }
0x115: {  	v6 =	vld [tilespmem:s2+$0x1E00]  }
0x116: {  	v3 =	vadd.f32 v4, v3  }
0x117: {  	v4 =	vld [tilespmem:s2+$0x2200]  }
0x118: {  	v3 =	vadd.f32 v5, v3  }
0x119: {  	v5 =	vld [tilespmem:s2+$0x2600]  }
0x11a: {  	v3 =	vadd.f32 v6, v3  }
0x11b: {  	v6 =	vld [tilespmem:s2+$0x2A00]  }
0x11c: {  	v3 =	vadd.f32 v4, v3  }
0x11d: {  	v4 =	vld [tilespmem:s2+$0x2E00]  }
0x11e: {  	v3 =	vadd.f32 v5, v3  }
0x11f: {  	v5 =	vld [tilespmem:s2+$0x3200]  }
0x120: {  	v3 =	vadd.f32 v6, v3  }
0x121: {  	v6 =	vld [tilespmem:s2+$0x3600]  }
0x122: {  	v3 =	vadd.f32 v4, v3  }
0x123: {  	v4 =	vld [tilespmem:s2+$0x3A00]  }
0x124: {  	v3 =	vadd.f32 v5, v3  }
0x125: {  	v5 =	vld [tilespmem:s2+$0x3E00]  }
0x126: {  	v3 =	vadd.f32 v6, v3  }
0x127: {  	v6 =	vld [tilespmem:s2+$0x4200]  }
0x128: {  	v3 =	vadd.f32 v4, v3;
	_ =	sdelay $0x1  }
0x129: {  	v3 =	vadd.f32 v5, v3  }
.Ltmp1:
0x12a: {  	(pc) =	sbr.rel @p0 .LBB2_4-.Ltmp1, $4  }
0x12b: {  	v3 =	vadd.f32 v6, v3  }
0x12c: {  	s31 =	sadd.s32 $0x10, s31  }
0x12d: {  	s2 =	sand.u32 $0x3F0, s3;
	[tilespmem:s31+$0x0] =	vst v3  }
0x12e: {  	s0 =	sadd.s32 $0x10, s0;
	s3 =	sadd.s32 $0x10, s3;
	v3 =	vld [tilespmem:s2+$0xA00]  }
0x12f: {  	v4 =	vld [tilespmem:s0+$0x0];
	_ =	sdelay $0x1  }
0x130: {  	v5 =	vld [tilespmem:s2+$0xE00];
	_ =	sdelay $0x1  }
0x131: {  	v6 =	vld [tilespmem:s2+$0x1200]  }
0x132: {  	v3 =	vadd.f32 v3, v4  }
0x133: {  	v37 =	vld [tilespmem:s2+$0x1600]  }
0x134: {  	v3 =	vadd.f32 v5, v3  }
0x135: {  	v38 =	vld [tilespmem:s2+$0x1A00]  }
0x136: {  	v3 =	vadd.f32 v6, v3  }
0x137: {  	v39 =	vld [tilespmem:s2+$0x1E00]  }
0x138: {  	v3 =	vadd.f32 v37, v3  }
0x139: {  	v40 =	vld [tilespmem:s2+$0x2200]  }
0x13a: {  	v3 =	vadd.f32 v38, v3  }
0x13b: {  	v41 =	vld [tilespmem:s2+$0x2600]  }
0x13c: {  	v3 =	vadd.f32 v39, v3  }
0x13d: {  	v42 =	vld [tilespmem:s2+$0x2A00]  }
0x13e: {  	v3 =	vadd.f32 v40, v3  }
0x13f: {  	v43 =	vld [tilespmem:s2+$0x2E00]  }
0x140: {  	v3 =	vadd.f32 v41, v3  }
0x141: {  	v44 =	vld [tilespmem:s2+$0x3200]  }
0x142: {  	v3 =	vadd.f32 v42, v3  }
0x143: {  	v45 =	vld [tilespmem:s2+$0x3600]  }
0x144: {  	v3 =	vadd.f32 v43, v3  }
0x145: {  	v46 =	vld [tilespmem:s2+$0x3A00]  }
0x146: {  	v3 =	vadd.f32 v44, v3  }
0x147: {  	v47 =	vld [tilespmem:s2+$0x3E00]  }
0x148: {  	v3 =	vadd.f32 v45, v3  }
0x149: {  	v48 =	vld [tilespmem:s2+$0x4200]  }
0x14a: {  	v3 =	vadd.f32 v46, v3;
	_ =	sdelay $0x1  }
0x14b: {  	v3 =	vadd.f32 v47, v3;
	_ =	sdelay $0x1  }
0x14c: {  	v3 =	vadd.f32 v48, v3  }
0x14d: {  	s3 =	sadd.s32 $0x10, s31  }
0x14e: {  	[tilespmem:s3+$0x0] =	vst v3  }
0x14f: {  	_ =	swait.ge [sflag:s23], $0x4000  }
0x150: {  	[sflag:s23] =	ssyncset.done $0x0  }
0x151: {  	s0 =	simm.s32 $0x0;
	[sflag:s23] =	ssyncadd.s32 $0xFFFFC000  }
0x152: {  	[hbm4b:s7+s0] =	stream.linear.scatter [tilespmem:s16], [sflag:$0x2], $0x4000, $0x38;
	[tilespmem:$0x19000] =	vst v63  }
0x153: {  	_ =	swait.ge [sflag:s23], $0x4000  }
0x154: {  	[sflag:s23] =	ssyncset.done $0x0  }
0x155: {  	[sflag:s23] =	ssyncadd.s32 $0xFFFFC000  }
0x156: {  	[hbm4b:s8+s0] =	stream.linear.scatter [tilespmem:s17], [sflag:$0x2], $0x4000, $0x38;
	[tilespmem:$0x19000] =	vst v63  }
0x157: {  	_ =	swait.ge [sflag:s23], $0x4000  }
0x158: {  	[sflag:s23] =	ssyncset.done $0x0  }
0x159: {  	[sflag:s23] =	ssyncadd.s32 $0xFFFFC000  }
0x15a: {  	[hbm4b:s9+s0] =	stream.linear.scatter [tilespmem:s19], [sflag:$0x2], $0x4000, $0x38;
	[tilespmem:$0x19000] =	vst v63  }
0x15b: {  	_ =	swait.ge [sflag:s23], $0x4000  }
0x15c: {  	[sflag:s23] =	ssyncset.done $0x0  }
0x15d: {  	[sflag:s23] =	ssyncadd.s32 $0xFFFFC000  }
0x15e: {  	[hbm4b:s10+s0] =	stream.linear.scatter [tilespmem:s21], [sflag:$0x2], $0x4000, $0x38;
	[tilespmem:$0x19000] =	vst v63  }
0x15f: {  	s31 =	simm.s32 $0x4600  }
0x160: {  	[spmem:s11] =	stream.strided.scatter [tilespmem:s31], [sflag:$0x3], $0x400, s24, s15, $0x38;
	[tilespmem:$0x19000] =	vst v63  }
0x161: {  	_ =	swait.ge [sflag:s14], $0x400  }
0x162: {  	[sflag:s14] =	ssyncset.done $0x0  }
0x163: {  	[sflag:s14] =	ssyncadd.s32 $0xFFFFFC00  }
0x164: {  	[bflag:$0x0] =	sbarrier.arrive $0xFFFF  }
0x165: {  	s18 =	rddreg [dreg:$0x3]  }
0x166: {  	[tilespmem:s25], [sflag:$0x3] =	stream.linear.gather [spmem:s18], $0x4000, $0x38;
	[tilespmem:$0x19000] =	vst v63  }
0x167: {  	_ =	swait.ge [sflag:s14], $0x4000  }
0x168: {  	s3 =	sand.u32 $0x70, s0;
	s0 =	sand.u32 $0x1C00, s0;
	[sflag:s14] =	ssyncset.done $0x0  }
0x169: {  	s0 =	sor.u32 s3, s0;
	[sflag:s14] =	ssyncadd.s32 $0xFFFFC000  }
0x16a: {  	v3 =	vld [tilespmem:s0+$0x4A80]  }
0x16b: {  	v49 =	vld [tilespmem:s0+$0x4A00];
	_ =	sdelay $0x1  }
0x16c: {  	v50 =	vld [tilespmem:s0+$0x4B00];
	_ =	sdelay $0x1  }
0x16d: {  	v51 =	vld [tilespmem:s0+$0x4B80]  }
0x16e: {  	v3 =	vadd.f32 v3, v49  }
0x16f: {  	v52 =	vld [tilespmem:s0+$0x4C00]  }
0x170: {  	v3 =	vadd.f32 v50, v3  }
0x171: {  	v53 =	vld [tilespmem:s0+$0x4C80]  }
0x172: {  	v3 =	vadd.f32 v51, v3  }
0x173: {  	v54 =	vld [tilespmem:s0+$0x4D00]  }
0x174: {  	v3 =	vadd.f32 v52, v3  }
0x175: {  	v55 =	vld [tilespmem:s0+$0x4D80]  }
0x176: {  	v3 =	vadd.f32 v53, v3  }
0x177: {  	v56 =	vld [tilespmem:s0+$0x6A00]  }
0x178: {  	v3 =	vadd.f32 v54, v3  }
0x179: {  	v57 =	vld [tilespmem:s0+$0x6A80]  }
0x17a: {  	v3 =	vadd.f32 v55, v3  }
0x17b: {  	v58 =	vld [tilespmem:s0+$0x6B00]  }
0x17c: {  	v3 =	vadd.f32 v56, v3  }
0x17d: {  	v59 =	vld [tilespmem:s0+$0x6B80]  }
0x17e: {  	v3 =	vadd.f32 v57, v3  }
0x17f: {  	v60 =	vld [tilespmem:s0+$0x6C00]  }
0x180: {  	v3 =	vadd.f32 v58, v3  }
0x181: {  	v61 =	vld [tilespmem:s0+$0x6C80]  }
0x182: {  	v3 =	vadd.f32 v59, v3  }
0x183: {  	v62 =	vld [tilespmem:s0+$0x6D00]  }
0x184: {  	v3 =	vadd.f32 v60, v3  }
0x185: {  	v63 =	vld [tilespmem:s0+$0x6D80]  }
0x186: {  	v3 =	vadd.f32 v61, v3;
	_ =	sdelay $0x1  }
0x187: {  	v3 =	vadd.f32 v62, v3;
	_ =	sdelay $0x1  }
0x188: {  	s18 =	simm.s32 $0x10;
	s0 =	simm.s32 $0x80;
	v3 =	vadd.f32 v63, v3  }
0x189: {  	s2 =	sand.u32 $0x70, s18;
	s3 =	sand.u32 $0x1C00, s0  }
0x18a: {  	s2 =	sor.u32 s2, s3;
	s3 =	simm.s32 $0x20;
	[tilespmem:s31+$0x0] =	vst v3  }
.LBB2_6:
0x18b: {  	p0 =	sne.s32 s3, $0x3F0;
	v3 =	vld [tilespmem:s2+$0x4A80]  }
0x18c: {  	v4 =	vld [tilespmem:s2+$0x4A00];
	_ =	sdelay $0x1  }
0x18d: {  	v5 =	vld [tilespmem:s2+$0x4B00];
	_ =	sdelay $0x1  }
0x18e: {  	v6 =	vld [tilespmem:s2+$0x4B80]  }
0x18f: {  	v3 =	vadd.f32 v3, v4  }
0x190: {  	v4 =	vld [tilespmem:s2+$0x4C00]  }
0x191: {  	v3 =	vadd.f32 v5, v3  }
0x192: {  	v5 =	vld [tilespmem:s2+$0x4C80]  }
0x193: {  	v3 =	vadd.f32 v6, v3  }
0x194: {  	v6 =	vld [tilespmem:s2+$0x4D00]  }
0x195: {  	v3 =	vadd.f32 v4, v3  }
0x196: {  	v4 =	vld [tilespmem:s2+$0x4D80]  }
0x197: {  	v3 =	vadd.f32 v5, v3  }
0x198: {  	v5 =	vld [tilespmem:s2+$0x6A00]  }
0x199: {  	v3 =	vadd.f32 v6, v3  }
0x19a: {  	v6 =	vld [tilespmem:s2+$0x6A80]  }
0x19b: {  	v3 =	vadd.f32 v4, v3  }
0x19c: {  	v4 =	vld [tilespmem:s2+$0x6B00]  }
0x19d: {  	v3 =	vadd.f32 v5, v3  }
0x19e: {  	v5 =	vld [tilespmem:s2+$0x6B80]  }
0x19f: {  	v3 =	vadd.f32 v6, v3  }
0x1a0: {  	v6 =	vld [tilespmem:s2+$0x6C00]  }
0x1a1: {  	v3 =	vadd.f32 v4, v3  }
0x1a2: {  	v4 =	vld [tilespmem:s2+$0x6C80]  }
0x1a3: {  	v3 =	vadd.f32 v5, v3  }
0x1a4: {  	v5 =	vld [tilespmem:s2+$0x6D00]  }
0x1a5: {  	v3 =	vadd.f32 v6, v3  }
0x1a6: {  	v6 =	vld [tilespmem:s2+$0x6D80]  }
0x1a7: {  	v3 =	vadd.f32 v4, v3;
	_ =	sdelay $0x1  }
.Ltmp2:
0x1a8: {  	v3 =	vadd.f32 v5, v3;
	(pc) =	sbr.rel @p0 .LBB2_6-.Ltmp2, $4  }
0x1a9: {  	_ = 	snop  }
0x1aa: {  	s0 =	sadd.s32 $0x80, s0;
	v3 =	vadd.f32 v6, v3  }
0x1ab: {  	s31 =	sadd.s32 $0x10, s31;
	s18 =	sand.u32 $0x1C00, s0;
	s2 =	sand.u32 $0x70, s3  }
0x1ac: {  	s3 =	sadd.s32 $0x10, s3;
	s2 =	sor.u32 s2, s18;
	[tilespmem:s31+$0x0] =	vst v3  }
0x1ad: {  	v3 =	vld [tilespmem:s2+$0x4A80]  }
0x1ae: {  	v4 =	vld [tilespmem:s2+$0x4A00];
	_ =	sdelay $0x1  }
0x1af: {  	v5 =	vld [tilespmem:s2+$0x4B00];
	_ =	sdelay $0x1  }
0x1b0: {  	v6 =	vld [tilespmem:s2+$0x4B80]  }
0x1b1: {  	v3 =	vadd.f32 v3, v4  }
0x1b2: {  	v21 =	vld [tilespmem:s2+$0x4C00]  }
0x1b3: {  	v3 =	vadd.f32 v5, v3  }
0x1b4: {  	v22 =	vld [tilespmem:s2+$0x4C80]  }
0x1b5: {  	v3 =	vadd.f32 v6, v3  }
0x1b6: {  	v23 =	vld [tilespmem:s2+$0x4D00]  }
0x1b7: {  	v3 =	vadd.f32 v21, v3  }
0x1b8: {  	v24 =	vld [tilespmem:s2+$0x4D80]  }
0x1b9: {  	v3 =	vadd.f32 v22, v3  }
0x1ba: {  	v25 =	vld [tilespmem:s2+$0x6A00]  }
0x1bb: {  	v3 =	vadd.f32 v23, v3  }
0x1bc: {  	v26 =	vld [tilespmem:s2+$0x6A80]  }
0x1bd: {  	v3 =	vadd.f32 v24, v3  }
0x1be: {  	v27 =	vld [tilespmem:s2+$0x6B00]  }
0x1bf: {  	v3 =	vadd.f32 v25, v3  }
0x1c0: {  	v28 =	vld [tilespmem:s2+$0x6B80]  }
0x1c1: {  	v3 =	vadd.f32 v26, v3  }
0x1c2: {  	v29 =	vld [tilespmem:s2+$0x6C00]  }
0x1c3: {  	v3 =	vadd.f32 v27, v3  }
0x1c4: {  	v30 =	vld [tilespmem:s2+$0x6C80]  }
0x1c5: {  	v3 =	vadd.f32 v28, v3  }
0x1c6: {  	v31 =	vld [tilespmem:s2+$0x6D00]  }
0x1c7: {  	v3 =	vadd.f32 v29, v3  }
0x1c8: {  	v32 =	vld [tilespmem:s2+$0x6D80]  }
0x1c9: {  	v3 =	vadd.f32 v30, v3;
	_ =	sdelay $0x1  }
0x1ca: {  	v3 =	vadd.f32 v31, v3;
	_ =	sdelay $0x1  }
0x1cb: {  	v3 =	vadd.f32 v32, v3  }
0x1cc: {  	s0 =	sadd.s32 $0x10, s31  }
0x1cd: {  	[tilespmem:s0+$0x0] =	vst v3  }
0x1ce: {  	v3 =	vld [tilespmem:$0x0];
	_ =	sdelay $0x7  }
0x1cf: {  	v3 =	vld.idx.msk [tilespmem:v3+s26+$0x0], $0xffff;
	_ =	sdelay $0x4  }
0x1d0: {  	(erf) = vrcp.f32 v3;
	_ =	sdelay $0x2  }
0x1d1: {  	v3 =	vld [tilespmem:$0x10];
	_ =	sdelay $0x5  }
0x1d2: {  	v33 =	vpop (erf)  }
0x1d3: {  	[tilespmem:$0x18A00] =	vst v33  }
0x1d4: {  	v3 =	vld.idx.msk [tilespmem:v3+s26+$0x0], $0xffff;
	_ =	sdelay $0x4  }
0x1d5: {  	(erf) = vrcp.f32 v3;
	_ =	sdelay $0x2  }
0x1d6: {  	v3 =	vld [tilespmem:$0x20];
	_ =	sdelay $0x5  }
0x1d7: {  	v34 =	vpop (erf)  }
0x1d8: {  	[tilespmem:$0x18A10] =	vst v34  }
0x1d9: {  	v3 =	vld.idx.msk [tilespmem:v3+s26+$0x0], $0xffff;
	_ =	sdelay $0x4  }
0x1da: {  	(erf) = vrcp.f32 v3;
	_ =	sdelay $0x2  }
0x1db: {  	v3 =	vld [tilespmem:$0x30];
	_ =	sdelay $0x5  }
0x1dc: {  	v35 =	vpop (erf)  }
0x1dd: {  	[tilespmem:$0x18A20] =	vst v35  }
0x1de: {  	v3 =	vld.idx.msk [tilespmem:v3+s26+$0x0], $0xffff;
	_ =	sdelay $0x4  }
0x1df: {  	(erf) = vrcp.f32 v3;
	_ =	sdelay $0x2  }
0x1e0: {  	v3 =	vld [tilespmem:$0x40];
	_ =	sdelay $0x5  }
0x1e1: {  	v36 =	vpop (erf)  }
0x1e2: {  	[tilespmem:$0x18A30] =	vst v36  }
0x1e3: {  	v3 =	vld.idx.msk [tilespmem:v3+s26+$0x0], $0xffff;
	_ =	sdelay $0x4  }
0x1e4: {  	(erf) = vrcp.f32 v3;
	_ =	sdelay $0x2  }
0x1e5: {  	v3 =	vld [tilespmem:$0x50];
	_ =	sdelay $0x5  }
0x1e6: {  	v37 =	vpop (erf)  }
0x1e7: {  	[tilespmem:$0x18A40] =	vst v37  }
0x1e8: {  	v3 =	vld.idx.msk [tilespmem:v3+s26+$0x0], $0xffff;
	_ =	sdelay $0x4  }
0x1e9: {  	(erf) = vrcp.f32 v3;
	_ =	sdelay $0x2  }
0x1ea: {  	v3 =	vld [tilespmem:$0x60];
	_ =	sdelay $0x5  }
0x1eb: {  	v38 =	vpop (erf)  }
0x1ec: {  	[tilespmem:$0x18A50] =	vst v38  }
0x1ed: {  	v3 =	vld.idx.msk [tilespmem:v3+s26+$0x0], $0xffff;
	_ =	sdelay $0x4  }
0x1ee: {  	(erf) = vrcp.f32 v3;
	_ =	sdelay $0x2  }
0x1ef: {  	v3 =	vld [tilespmem:$0x70];
	_ =	sdelay $0x5  }
0x1f0: {  	v39 =	vpop (erf)  }
0x1f1: {  	[tilespmem:$0x18A60] =	vst v39  }
0x1f2: {  	v3 =	vld.idx.msk [tilespmem:v3+s26+$0x0], $0xffff;
	_ =	sdelay $0x4  }
0x1f3: {  	(erf) = vrcp.f32 v3;
	_ =	sdelay $0x2  }
0x1f4: {  	v3 =	vld [tilespmem:$0x80];
	_ =	sdelay $0x5  }
0x1f5: {  	v40 =	vpop (erf)  }
0x1f6: {  	[tilespmem:$0x18A70] =	vst v40  }
0x1f7: {  	v3 =	vld.idx.msk [tilespmem:v3+s26+$0x0], $0xffff;
	_ =	sdelay $0x4  }
0x1f8: {  	(erf) = vrcp.f32 v3;
	_ =	sdelay $0x2  }
0x1f9: {  	v3 =	vld [tilespmem:$0x90];
	_ =	sdelay $0x5  }
0x1fa: {  	v41 =	vpop (erf)  }
0x1fb: {  	[tilespmem:$0x18A80] =	vst v41  }
0x1fc: {  	v3 =	vld.idx.msk [tilespmem:v3+s26+$0x0], $0xffff;
	_ =	sdelay $0x4  }
0x1fd: {  	(erf) = vrcp.f32 v3;
	_ =	sdelay $0x2  }
0x1fe: {  	v3 =	vld [tilespmem:$0xA0];
	_ =	sdelay $0x5  }
0x1ff: {  	v42 =	vpop (erf)  }
0x200: {  	[tilespmem:$0x18A90] =	vst v42  }
0x201: {  	v3 =	vld.idx.msk [tilespmem:v3+s26+$0x0], $0xffff;
	_ =	sdelay $0x4  }
0x202: {  	(erf) = vrcp.f32 v3;
	_ =	sdelay $0x2  }
0x203: {  	v3 =	vld [tilespmem:$0xB0];
	_ =	sdelay $0x5  }
0x204: {  	v43 =	vpop (erf)  }
0x205: {  	[tilespmem:$0x18AA0] =	vst v43  }
0x206: {  	v3 =	vld.idx.msk [tilespmem:v3+s26+$0x0], $0xffff;
	_ =	sdelay $0x4  }
0x207: {  	(erf) = vrcp.f32 v3;
	_ =	sdelay $0x2  }
0x208: {  	v3 =	vld [tilespmem:$0xC0];
	_ =	sdelay $0x5  }
0x209: {  	v44 =	vpop (erf)  }
0x20a: {  	[tilespmem:$0x18AB0] =	vst v44  }
0x20b: {  	v3 =	vld.idx.msk [tilespmem:v3+s26+$0x0], $0xffff;
	_ =	sdelay $0x4  }
0x20c: {  	(erf) = vrcp.f32 v3;
	_ =	sdelay $0x2  }
0x20d: {  	v3 =	vld [tilespmem:$0xD0];
	_ =	sdelay $0x5  }
0x20e: {  	v45 =	vpop (erf)  }
0x20f: {  	[tilespmem:$0x18AC0] =	vst v45  }
0x210: {  	v3 =	vld.idx.msk [tilespmem:v3+s26+$0x0], $0xffff;
	_ =	sdelay $0x4  }
0x211: {  	(erf) = vrcp.f32 v3;
	_ =	sdelay $0x2  }
0x212: {  	v3 =	vld [tilespmem:$0xE0];
	_ =	sdelay $0x5  }
0x213: {  	v46 =	vpop (erf)  }
0x214: {  	[tilespmem:$0x18AD0] =	vst v46  }
0x215: {  	v3 =	vld.idx.msk [tilespmem:v3+s26+$0x0], $0xffff;
	_ =	sdelay $0x4  }
0x216: {  	(erf) = vrcp.f32 v3;
	_ =	sdelay $0x2  }
0x217: {  	v3 =	vld [tilespmem:$0xF0];
	_ =	sdelay $0x5  }
0x218: {  	v47 =	vpop (erf)  }
0x219: {  	[tilespmem:$0x18AE0] =	vst v47  }
0x21a: {  	v3 =	vld.idx.msk [tilespmem:v3+s26+$0x0], $0xffff;
	_ =	sdelay $0x4  }
0x21b: {  	(erf) = vrcp.f32 v3;
	_ =	sdelay $0x2  }
0x21c: {  	v3 =	vld [tilespmem:$0x100];
	_ =	sdelay $0x5  }
0x21d: {  	v48 =	vpop (erf)  }
0x21e: {  	[tilespmem:$0x18AF0] =	vst v48  }
0x21f: {  	v3 =	vld.idx.msk [tilespmem:v3+s26+$0x0], $0xffff;
	_ =	sdelay $0x4  }
0x220: {  	(erf) = vrcp.f32 v3;
	_ =	sdelay $0x2  }
0x221: {  	v3 =	vld [tilespmem:$0x110];
	_ =	sdelay $0x5  }
0x222: {  	v49 =	vpop (erf)  }
0x223: {  	[tilespmem:$0x18B00] =	vst v49  }
0x224: {  	v3 =	vld.idx.msk [tilespmem:v3+s26+$0x0], $0xffff;
	_ =	sdelay $0x4  }
0x225: {  	(erf) = vrcp.f32 v3;
	_ =	sdelay $0x2  }
0x226: {  	v3 =	vld [tilespmem:$0x120];
	_ =	sdelay $0x5  }
0x227: {  	v50 =	vpop (erf)  }
0x228: {  	[tilespmem:$0x18B10] =	vst v50  }
0x229: {  	v3 =	vld.idx.msk [tilespmem:v3+s26+$0x0], $0xffff;
	_ =	sdelay $0x4  }
0x22a: {  	(erf) = vrcp.f32 v3;
	_ =	sdelay $0x2  }
0x22b: {  	v3 =	vld [tilespmem:$0x130];
	_ =	sdelay $0x5  }
0x22c: {  	v51 =	vpop (erf)  }
0x22d: {  	[tilespmem:$0x18B20] =	vst v51  }
0x22e: {  	v3 =	vld.idx.msk [tilespmem:v3+s26+$0x0], $0xffff;
	_ =	sdelay $0x4  }
0x22f: {  	(erf) = vrcp.f32 v3;
	_ =	sdelay $0x2  }
0x230: {  	v3 =	vld [tilespmem:$0x140];
	_ =	sdelay $0x5  }
0x231: {  	v52 =	vpop (erf)  }
0x232: {  	[tilespmem:$0x18B30] =	vst v52  }
0x233: {  	v3 =	vld.idx.msk [tilespmem:v3+s26+$0x0], $0xffff;
	_ =	sdelay $0x4  }
0x234: {  	(erf) = vrcp.f32 v3;
	_ =	sdelay $0x2  }
0x235: {  	v3 =	vld [tilespmem:$0x150];
	_ =	sdelay $0x5  }
0x236: {  	v53 =	vpop (erf)  }
0x237: {  	[tilespmem:$0x18B40] =	vst v53  }
0x238: {  	v3 =	vld.idx.msk [tilespmem:v3+s26+$0x0], $0xffff;
	_ =	sdelay $0x4  }
0x239: {  	(erf) = vrcp.f32 v3;
	_ =	sdelay $0x2  }
0x23a: {  	v3 =	vld [tilespmem:$0x160];
	_ =	sdelay $0x5  }
0x23b: {  	v54 =	vpop (erf)  }
0x23c: {  	[tilespmem:$0x18B50] =	vst v54  }
0x23d: {  	v3 =	vld.idx.msk [tilespmem:v3+s26+$0x0], $0xffff;
	_ =	sdelay $0x4  }
0x23e: {  	(erf) = vrcp.f32 v3;
	_ =	sdelay $0x2  }
0x23f: {  	v3 =	vld [tilespmem:$0x170];
	_ =	sdelay $0x5  }
0x240: {  	v55 =	vpop (erf)  }
0x241: {  	[tilespmem:$0x18B60] =	vst v55  }
0x242: {  	v3 =	vld.idx.msk [tilespmem:v3+s26+$0x0], $0xffff;
	_ =	sdelay $0x4  }
0x243: {  	(erf) = vrcp.f32 v3;
	_ =	sdelay $0x2  }
0x244: {  	v3 =	vld [tilespmem:$0x180];
	_ =	sdelay $0x5  }
0x245: {  	v56 =	vpop (erf)  }
0x246: {  	[tilespmem:$0x18B70] =	vst v56  }
0x247: {  	v3 =	vld.idx.msk [tilespmem:v3+s26+$0x0], $0xffff;
	_ =	sdelay $0x4  }
0x248: {  	(erf) = vrcp.f32 v3;
	_ =	sdelay $0x2  }
0x249: {  	v3 =	vld [tilespmem:$0x190];
	_ =	sdelay $0x5  }
0x24a: {  	v57 =	vpop (erf)  }
0x24b: {  	[tilespmem:$0x18B80] =	vst v57  }
0x24c: {  	v3 =	vld.idx.msk [tilespmem:v3+s26+$0x0], $0xffff;
	_ =	sdelay $0x4  }
0x24d: {  	(erf) = vrcp.f32 v3;
	_ =	sdelay $0x2  }
0x24e: {  	v3 =	vld [tilespmem:$0x1A0];
	_ =	sdelay $0x5  }
0x24f: {  	v58 =	vpop (erf)  }
0x250: {  	[tilespmem:$0x18B90] =	vst v58  }
0x251: {  	v3 =	vld.idx.msk [tilespmem:v3+s26+$0x0], $0xffff;
	_ =	sdelay $0x4  }
0x252: {  	(erf) = vrcp.f32 v3;
	_ =	sdelay $0x2  }
0x253: {  	v3 =	vld [tilespmem:$0x1B0];
	_ =	sdelay $0x5  }
0x254: {  	v59 =	vpop (erf)  }
0x255: {  	[tilespmem:$0x18BA0] =	vst v59  }
0x256: {  	v3 =	vld.idx.msk [tilespmem:v3+s26+$0x0], $0xffff;
	_ =	sdelay $0x4  }
0x257: {  	(erf) = vrcp.f32 v3;
	_ =	sdelay $0x2  }
0x258: {  	v3 =	vld [tilespmem:$0x1C0];
	_ =	sdelay $0x5  }
0x259: {  	v60 =	vpop (erf)  }
0x25a: {  	[tilespmem:$0x18BB0] =	vst v60  }
0x25b: {  	v3 =	vld.idx.msk [tilespmem:v3+s26+$0x0], $0xffff;
	_ =	sdelay $0x4  }
0x25c: {  	(erf) = vrcp.f32 v3;
	_ =	sdelay $0x2  }
0x25d: {  	v3 =	vld [tilespmem:$0x1D0];
	_ =	sdelay $0x5  }
0x25e: {  	v61 =	vpop (erf)  }
0x25f: {  	[tilespmem:$0x18BC0] =	vst v61  }
0x260: {  	v3 =	vld.idx.msk [tilespmem:v3+s26+$0x0], $0xffff;
	_ =	sdelay $0x4  }
0x261: {  	(erf) = vrcp.f32 v3;
	_ =	sdelay $0x2  }
0x262: {  	v3 =	vld [tilespmem:$0x1E0];
	_ =	sdelay $0x5  }
0x263: {  	v62 =	vpop (erf)  }
0x264: {  	[tilespmem:$0x18BD0] =	vst v62  }
0x265: {  	v3 =	vld.idx.msk [tilespmem:v3+s26+$0x0], $0xffff;
	_ =	sdelay $0x4  }
0x266: {  	(erf) = vrcp.f32 v3;
	_ =	sdelay $0x2  }
0x267: {  	v3 =	vld [tilespmem:$0x1F0];
	_ =	sdelay $0x5  }
0x268: {  	v63 =	vpop (erf)  }
0x269: {  	[tilespmem:$0x18BE0] =	vst v63  }
0x26a: {  	v3 =	vld.idx.msk [tilespmem:v3+s26+$0x0], $0xffff;
	_ =	sdelay $0x4  }
0x26b: {  	(erf) = vrcp.f32 v3;
	_ =	sdelay $0x8  }
0x26c: {  	v3 =	vpop (erf)  }
0x26d: {  	[tilespmem:$0x18BF0] =	vst v3  }
0x26e: {  	[hbm4b:s12+s4] =	stream.linear.scatter [tilespmem:s28], [sflag:$0x3], $0x200, $0x38;
	[tilespmem:$0x19000] =	vst v63  }
0x26f: {  	_ =	swait.ge [sflag:s14], $0x200  }
0x270: {  	[sflag:s14] =	ssyncset.done $0x0  }
0x271: {  	[sflag:s14] =	ssyncadd.s32 $0xFFFFFE00  }
0x272: {  	_ =	swait.ge [sflag:s29], $0x4000  }
0x273: {  	[sflag:s29] =	ssyncset.done $0x0  }
0x274: {  	[sflag:s29] =	ssyncadd.s32 $0xFFFFC000  }
0x275: {  	_ =	swait.ge [sflag:s29], $0x4000  }
0x276: {  	[sflag:s29] =	ssyncset.done $0x0  }
0x277: {  	s30 =	sadd.s32 $0x1, s30;
	[sflag:s29] =	ssyncadd.s32 $0xFFFFC000  }
0x278: {  	p0 =	sne.s32 s30, s13;
	_ =	swait.ge [sflag:s29], $0x4000  }
.Ltmp3:
0x279: {  	[sflag:s29] =	ssyncset.done $0x0;
	(pc) =	sbr.rel @p0 .LBB2_1-.Ltmp3, $4  }
0x27a: {  	[sflag:s29] =	ssyncadd.s32 $0xFFFFC000  }
0x27b: {  	_ =	swait.ge [sflag:s29], $0x4000  }
0x27c: {  	[sflag:s29] =	ssyncset.done $0x0  }
0x27d: {  	[sflag:s29] =	ssyncadd.s32 $0xFFFFC000  }
0x27e: {  	_ =	sfence.sel $0x180000  }
0x27f: {  	[bflag:$0x0] =	sbarrier.arrive $0xFFFF  }
0x280: {  	_ =	strace $0x90000047  }
0x281: {  	s0 =	stileid.u32;
	[bflag:$0x2] =	sbarrier.arrive $0xFFFF  }
0x282: {  	p0 =	sne.s32 s0, $0x0;
	s0 =	rddreg [dreg:$0x4]  }
0x283: {  	s0 =	sadd.s32 @!p0 $0x100000, s0  }
0x284: {  	[sflag:s0] =	ssyncadd.tile.s32 @!p0 $0x1;
	_ =	shalt  }
.Lfunc_end2:
_tile_overlayer_lowered:
.L_overlay_start_2:
0x285: {  	(tag) =	ssettag $0x2  }
0x286: {  	s0 =	rddreg [dreg:$0x0];
	s2 =	stileid.u32  }
0x287: {  	s1 =	rddreg [dreg:$0x1];
	p0 =	sne.s32 s2, $0x0  }
0x288: {  	s3 =	rddreg [dreg:$0x2];
	[bflag:$0x3] =	sbarrier.arrive $0xFFFF;
	s2 =	simm.s32 @!p0 $0x1C03  }
0x289: {  	[timem:s3], [sflag:s2] =	dma.local @!p0 [hbm:s0], s1  }
0x28a: {  	s0 =	simm.s32 @!p0 $0x3  }
0x28b: {  	_ =	swait.ge @!p0 [sflag:s0], s1  }
0x28c: {  	s1 =	ssub.s32 @!p0 $0x0, s1;
	[sflag:s0] =	ssyncset.done @!p0 $0x0  }
0x28d: {  	[sflag:s0] =	ssyncadd.s32 @!p0 s1  }
0x28e: {  	[bflag:$0x3] =	sbarrier.arrive $0xFFFF  }
0x28f: {  	_ =	shalt  }

</sc_bundles>
